<compile_context>
chip_gen: v7x
topology: tpu7x:2x2x1
jax: 0.10.2.dev20260603
libtpu: 0.0.44.dev20260713+nightly
codegen_flags: <defaults>
</compile_context>

<pallas_src>
import functools

import jax
import jax.numpy as jnp
from jax import lax
from jax.experimental import pallas as pl
from jax.experimental.pallas import tpu as pltpu
from jax.experimental.pallas import tpu_sc as plsc

IN_DIM = 2048
OUT_DIM = 2048
BATCH = 8192
HALF = BATCH // 2

_C0 = (0., 0., 0., 0., 0., 0., 0., 0., 1., 1., 1., 1., 1., 1., 1., 1.)
_C1 = (0., 0., 1., 1., 0., 0., 1., 1., -1., -1., 0., 0., -1., -1., 0., 0.)
_C2 = (0., 0., 0., 0., 1., 1., 1., 1., -1., -1., -1., -1., 0., 0., 0., 0.)
_C3 = (0., 1., -1., 0., -1., 0., -2., -1., 1., 2., 0., 1., 0., 1., -1., 0.)


def _first_argmax(w, iota, sentinel):
    mx = jnp.max(w, axis=1, keepdims=True)
    return jnp.min(jnp.where(w == mx, iota, sentinel), axis=1)


def _idx_coeff_body(lwa_ref, lwb_ref, maf_ref, mbf_ref, nw_ref, idx_ref, coef_ref):
    rows = lwa_ref.shape[0]
    iota_in = lax.broadcasted_iota(jnp.int32, (rows, IN_DIM), 1)
    wa = jnp.where(maf_ref[...] != 0, lwa_ref[...], -1e30)
    wb = jnp.where(mbf_ref[...] != 0, lwb_ref[...], -1e30)
    ia = _first_argmax(wa, iota_in, IN_DIM)
    ib = _first_argmax(wb, iota_in, IN_DIM)
    zeros_i = jnp.zeros((6, rows), jnp.int32)
    idx_ref[...] = jnp.concatenate([ia[None, :], ib[None, :], zeros_i], axis=0)

    iota_g = lax.broadcasted_iota(jnp.int32, (rows, 16), 1)
    g = _first_argmax(nw_ref[...], iota_g, 16)[None, :]
    c0 = jnp.zeros_like(g, dtype=jnp.float32)
    c1, c2, c3 = c0, c0, c0
    for k in range(16):
        sel = (g == k).astype(jnp.float32)
        c0 = c0 + sel * _C0[k]
        c1 = c1 + sel * _C1[k]
        c2 = c2 + sel * _C2[k]
        c3 = c3 + sel * _C3[k]
    zeros_f = jnp.zeros((4, rows), jnp.float32)
    coef_ref[...] = jnp.concatenate([c0, c1, c2, c3, zeros_f], axis=0)


def _bf16_bits(u):
    lsb = lax.shift_right_logical(u, 16) & 1
    return lax.shift_right_logical(u + 0x7FFF + lsb, 16)


def _pack_body(x0_ref, x1_ref, xt_ref):
    u0 = lax.bitcast_convert_type(x0_ref[...], jnp.int32)
    u1 = lax.bitcast_convert_type(x1_ref[...], jnp.int32)
    packed = lax.shift_left(_bf16_bits(u1), 16) | _bf16_bits(u0)
    xt_ref[...] = jnp.swapaxes(packed, 0, 1)


def _gate_body(a_ref, b_ref, coef_ref, out_ref):
    def unpack(u):
        lo = lax.bitcast_convert_type(lax.shift_left(u, 16), jnp.float32)
        hi = lax.bitcast_convert_type(u & jnp.int32(-65536), jnp.float32)
        return lo, hi

    half = out_ref.shape[0] // 2
    atp = jnp.swapaxes(a_ref[...], 0, 1)
    btp = jnp.swapaxes(b_ref[...], 0, 1)
    a_lo, a_hi = unpack(atp)
    b_lo, b_hi = unpack(btp)
    c0 = coef_ref[0, :][None, :]
    c1 = coef_ref[1, :][None, :]
    c2 = coef_ref[2, :][None, :]
    c3 = coef_ref[3, :][None, :]
    out_ref[pl.ds(0, half), :] = c0 + c1 * a_lo + c2 * b_lo + c3 * (a_lo * b_lo)
    out_ref[pl.ds(half, half), :] = c0 + c1 * a_hi + c2 * b_hi + c3 * (a_hi * b_hi)


def _sc_gather(xTp, idx_flat):
    mesh = plsc.VectorSubcoreMesh(core_axis_name="c", subcore_axis_name="s")
    chunk = 8
    n_chunks = 128 // chunk

    @functools.partial(
        pl.kernel,
        mesh=mesh,
        out_type=jax.ShapeDtypeStruct((2 * OUT_DIM, HALF), jnp.int32),
        scratch_types=[
            pltpu.VMEM((128,), jnp.int32),
            pltpu.VMEM((chunk, HALF), jnp.int32),
            pltpu.VMEM((chunk, HALF), jnp.int32),
            pltpu.VMEM((chunk, HALF), jnp.int32),
            pltpu.SemaphoreType.DMA,
            pltpu.SemaphoreType.DMA,
        ],
    )
    def k(xT_hbm, idx_hbm, out_hbm, idx_v, buf0, buf1, buf2, gsem, wsem):
        wid = lax.axis_index("s") * 2 + lax.axis_index("c")
        base = wid * 128
        pltpu.sync_copy(idx_hbm.at[pl.ds(base, 128)], idx_v)
        bufs = (buf0, buf1, buf2)

        def start_gather(c):
            return pltpu.async_copy(
                xT_hbm.at[idx_v.at[pl.ds(c * chunk, chunk)]], bufs[c % 3], gsem
            )

        g = [None] * n_chunks
        wb = [None] * n_chunks
        g[0] = start_gather(0)
        g[1] = start_gather(1)
        for c in range(n_chunks):
            g[c].wait()
            if c + 2 < n_chunks:
                if c >= 1:
                    wb[c - 1].wait()
                g[c + 2] = start_gather(c + 2)
            wb[c] = pltpu.async_copy(
                bufs[c % 3], out_hbm.at[pl.ds(base + c * chunk, chunk)], wsem
            )
        wb[n_chunks - 3].wait()
        wb[n_chunks - 2].wait()
        wb[n_chunks - 1].wait()

    return k(xTp, idx_flat)


def _stage1(lwa, lwb, maf, mbf, nw):
    blk = 128
    grid = OUT_DIM // blk
    return pl.pallas_call(
        _idx_coeff_body,
        grid=(grid,),
        in_specs=[
            pl.BlockSpec((blk, IN_DIM), lambda g: (g, 0)),
            pl.BlockSpec((blk, IN_DIM), lambda g: (g, 0)),
            pl.BlockSpec((blk, IN_DIM), lambda g: (g, 0)),
            pl.BlockSpec((blk, IN_DIM), lambda g: (g, 0)),
            pl.BlockSpec((blk, 16), lambda g: (g, 0)),
        ],
        out_specs=[
            pl.BlockSpec((8, blk), lambda g: (0, g)),
            pl.BlockSpec((8, blk), lambda g: (0, g)),
        ],
        out_shape=[
            jax.ShapeDtypeStruct((8, OUT_DIM), jnp.int32),
            jax.ShapeDtypeStruct((8, OUT_DIM), jnp.float32),
        ],
        compiler_params=pltpu.CompilerParams(
            dimension_semantics=("parallel",)),
    )(lwa, lwb, maf, mbf, nw)


def _stage2(x):
    rb, cb = 1024, 1024
    return pl.pallas_call(
        _pack_body,
        grid=(HALF // rb, IN_DIM // cb),
        in_specs=[
            pl.BlockSpec((rb, cb), lambda m, j: (2 * m, j)),
            pl.BlockSpec((rb, cb), lambda m, j: (2 * m + 1, j)),
        ],
        out_specs=pl.BlockSpec((cb, rb), lambda m, j: (j, m)),
        out_shape=jax.ShapeDtypeStruct((IN_DIM, HALF), jnp.int32),
        compiler_params=pltpu.CompilerParams(
            dimension_semantics=("parallel", "parallel")),
    )(x, x)


def _stage4(gT, coeffs):
    nb, bb = 512, 1024
    return pl.pallas_call(
        _gate_body,
        grid=(OUT_DIM // nb, HALF // bb),
        in_specs=[
            pl.BlockSpec((nb, bb), lambda j, m: (j, m)),
            pl.BlockSpec((nb, bb), lambda j, m: (j + OUT_DIM // nb, m)),
            pl.BlockSpec((8, nb), lambda j, m: (0, j)),
        ],
        out_specs=pl.BlockSpec((2 * bb, nb), lambda j, m: (m, j)),
        out_shape=jax.ShapeDtypeStruct((BATCH, OUT_DIM), jnp.float32),
        compiler_params=pltpu.CompilerParams(
            dimension_semantics=("parallel", "parallel")),
    )(gT, gT, coeffs)


def kernel(x, neuron_weights, link_weights_a, link_weights_b, link_mask_a, link_mask_b):
    ma8 = link_mask_a.astype(jnp.int8)
    mb8 = link_mask_b.astype(jnp.int8)
    idxmat, coeffs = _stage1(link_weights_a, link_weights_b, ma8,
                             mb8, neuron_weights)
    idx_flat = jnp.concatenate([idxmat[0], idxmat[1]])
    xTp = _stage2(x)
    gT = _sc_gather(xTp, idx_flat)
    return _stage4(gT, coeffs)

# --- scband reference (transcript-rebuilt; emitter-appended) ---
"""Pipeline reference for scband-logic-layer-49855980372094 (READ-ONLY COPY).

The authoritative reference and input builder live on the scoring server;
editing this copy changes nothing except your own understanding.
"""

import jax, jax.numpy as jnp
import numpy as np

IN_DIM = 2048
OUT_DIM = 2048
BATCH = 8192
NUM_LINKS = 8
NUM_GATES = 8
SUBSET_GATES_PRIORITY = [8, 14, 6, 9, 7, 1, 3, 5, 12, 10, 11, 13, 2, 4, 0, 15]


def setup_inputs(seed: int = 0) -> dict:
    key = jax.random.key(seed)
    k1, k2, k3, k4 = jax.random.split(key, 4)
    x = jax.random.uniform(k1, (BATCH, IN_DIM), dtype=jnp.float32)
    neuron_weights = jax.random.uniform(k2, (OUT_DIM, 16), minval=-0.1, maxval=0.1, dtype=jnp.float32)
    gate_mask = np.zeros((OUT_DIM, 16), dtype=bool)
    gate_mask[:, SUBSET_GATES_PRIORITY[:NUM_GATES]] = True
    neuron_weights = jnp.where(jnp.asarray(gate_mask), neuron_weights, -jnp.inf)
    link_weights_a = jax.random.uniform(k3, (OUT_DIM, IN_DIM), minval=-0.1, maxval=0.1, dtype=jnp.float32)
    link_weights_b = jax.random.uniform(k4, (OUT_DIM, IN_DIM), minval=-0.1, maxval=0.1, dtype=jnp.float32)
    rng = np.random.default_rng(0)
    mask_a = np.zeros((OUT_DIM, IN_DIM), dtype=bool)
    mask_b = np.zeros((OUT_DIM, IN_DIM), dtype=bool)
    for i in range(OUT_DIM):
        idx = rng.integers(0, IN_DIM, NUM_LINKS * 2)
        mask_a[i, idx[:NUM_LINKS]] = True
        mask_b[i, idx[NUM_LINKS:]] = True
    return {
        'x': x,
        'neuron_weights': neuron_weights,
        'link_weights_a': link_weights_a,
        'link_weights_b': link_weights_b,
        'link_mask_a': jnp.asarray(mask_a),
        'link_mask_b': jnp.asarray(mask_b),
    }


def _bin_op_sum(a, b, w):
    # 16 canonical soft logic gates, weighted sum (op 0 is the zero gate).
    ab = a * b
    one = jnp.float32(1.0)
    y = w[..., 1] * ab
    y = y + w[..., 2] * (a - ab)
    y = y + w[..., 3] * a
    y = y + w[..., 4] * (b - ab)
    y = y + w[..., 5] * b
    y = y + w[..., 6] * (a + b - 2.0 * ab)
    y = y + w[..., 7] * (a + b - ab)
    y = y + w[..., 8] * (one - (a + b - ab))
    y = y + w[..., 9] * (one - (a + b - 2.0 * ab))
    y = y + w[..., 10] * (one - b)
    y = y + w[..., 11] * (one - b + ab)
    y = y + w[..., 12] * (one - a)
    y = y + w[..., 13] * (one - a + ab)
    y = y + w[..., 14] * (one - ab)
    y = y + w[..., 15] * one
    return y


def reference(x, neuron_weights, link_weights_a, link_weights_b, link_mask_a, link_mask_b):
    neg_inf = jnp.float32(-jnp.inf)
    lwa_masked = jnp.where(link_mask_a, link_weights_a, neg_inf)
    lwb_masked = jnp.where(link_mask_b, link_weights_b, neg_inf)
    idx_a = jnp.argmax(lwa_masked, axis=-1)
    idx_b = jnp.argmax(lwb_masked, axis=-1)
    a = x[..., idx_a]
    b = x[..., idx_b]
    w_hard = jax.nn.one_hot(jnp.argmax(neuron_weights, axis=-1), 16, dtype=x.dtype)
    return _bin_op_sum(a, b, w_hard)

if __name__ == "__main__":
    import jax
    _d = setup_inputs()
    print(jax.jit(kernel)(*tuple(_d.values())))

</pallas_src>

<mosaic_0001>
#map = affine_map<(d0, d1) -> (0, 0)>
#map1 = affine_map<(d0, d1) -> (0)>
module attributes {stable_mosaic.version = 14 : i64} {
  func.func @k(%arg0: i32, %arg1: i32, %arg2: memref<2048x4096xi32, #tpu.memory_space<hbm>>, %arg3: memref<4096xi32, #tpu.memory_space<hbm>>, %arg4: memref<4096x4096xi32, #tpu.memory_space<hbm>>, %arg5: memref<128xi32, #tpu.memory_space<vmem>>, %arg6: memref<8x4096xi32, #tpu.memory_space<vmem>>, %arg7: memref<8x4096xi32, #tpu.memory_space<vmem>>, %arg8: memref<8x4096xi32, #tpu.memory_space<vmem>>, %arg9: memref<!tpu.dma_semaphore, #tpu.memory_space<semaphore_mem>>, %arg10: memref<!tpu.dma_semaphore, #tpu.memory_space<semaphore_mem>>) attributes {dimension_semantics = [#tpu.dimension_semantics<core_parallel>, #tpu.dimension_semantics<subcore_parallel>], iteration_bounds = array<i64: 2, 16>, scalar_prefetch = 0 : i64, scratch_operands = 6 : i64, tpu.core_type = #tpu.core_type<sc_vector_subcore>, window_params = [{transform_indices = #map}, {transform_indices = #map1}, {transform_indices = #map}]} {
    %mul3A = arith.constant 2 : i32
    %mul3A_0 = arith.muli %arg1, %mul3A : i32
    %add3A = arith.addi %mul3A_0, %arg0 : i32
    %mul3A_1 = arith.constant 128 : i32
    %mul3A_2 = arith.muli %add3A, %mul3A_1 : i32
    "tpu.region"() ({
      %run_scoped3A = tpu.sem_alloc : memref<!tpu.dma_semaphore, #tpu.memory_space<semaphore_mem>>
      %dma_start3A_321 = tpu.memref_slice %arg3[%mul3A_2] : memref<4096xi32, #tpu.memory_space<hbm>> -> memref<128xi32, #tpu.memory_space<hbm>>
      %dma_start3A_322 = tpu.memref_slice %arg3[%mul3A_2] : memref<4096xi32, #tpu.memory_space<hbm>> -> memref<128xi32, #tpu.memory_space<hbm>>
      tpu.enqueue_dma source(%dma_start3A_322 : memref<128xi32, #tpu.memory_space<hbm>>) target(%arg5 : memref<128xi32, #tpu.memory_space<vmem>>) target_semaphore(%run_scoped3A : memref<!tpu.dma_semaphore, #tpu.memory_space<semaphore_mem>>)
      %dma_wait3A_323 = tpu.memref_slice %arg3[%mul3A_2] : memref<4096xi32, #tpu.memory_space<hbm>> -> memref<128xi32, #tpu.memory_space<hbm>>
      %dma_wait3A_324 = tpu.memref_slice %arg3[%mul3A_2] : memref<4096xi32, #tpu.memory_space<hbm>> -> memref<128xi32, #tpu.memory_space<hbm>>
      tpu.wait_dma2 semaphore(%run_scoped3A : memref<!tpu.dma_semaphore, #tpu.memory_space<semaphore_mem>>) src(%dma_wait3A_324 : memref<128xi32, #tpu.memory_space<hbm>>) dst(%arg5 : memref<128xi32, #tpu.memory_space<vmem>>)
      tpu.yield
    }) : () -> ()
    %dma_start3A = arith.constant 0 : i32
    %dma_start3A_3 = tpu.memref_slice %arg5[%dma_start3A] : memref<128xi32, #tpu.memory_space<vmem>> -> memref<8xi32, #tpu.memory_space<vmem>>
    %dma_start3A_4 = arith.constant 0 : i32
    %dma_start3A_5 = arith.constant 0 : i32
    %dma_start3A_6 = tpu.memref_slice %arg2[%dma_start3A_4, %dma_start3A_5] : memref<2048x4096xi32, #tpu.memory_space<hbm>> -> memref<2048x4096xi32, #tpu.memory_space<hbm>>
    tpu.enqueue_indirect_dma source(%dma_start3A_6 : memref<2048x4096xi32, #tpu.memory_space<hbm>>) target(%arg6 : memref<8x4096xi32, #tpu.memory_space<vmem>>) offsets(%dma_start3A_3 : memref<8xi32, #tpu.memory_space<vmem>>) semaphore(%arg9 : memref<!tpu.dma_semaphore, #tpu.memory_space<semaphore_mem>>)
    %dma_start3A_7 = arith.constant 8 : i32
    %dma_start3A_8 = tpu.memref_slice %arg5[%dma_start3A_7] : memref<128xi32, #tpu.memory_space<vmem>> -> memref<8xi32, #tpu.memory_space<vmem>>
    %dma_start3A_9 = arith.constant 0 : i32
    %dma_start3A_10 = arith.constant 0 : i32
    %dma_start3A_11 = tpu.memref_slice %arg2[%dma_start3A_9, %dma_start3A_10] : memref<2048x4096xi32, #tpu.memory_space<hbm>> -> memref<2048x4096xi32, #tpu.memory_space<hbm>>
    tpu.enqueue_indirect_dma source(%dma_start3A_11 : memref<2048x4096xi32, #tpu.memory_space<hbm>>) target(%arg7 : memref<8x4096xi32, #tpu.memory_space<vmem>>) offsets(%dma_start3A_8 : memref<8xi32, #tpu.memory_space<vmem>>) semaphore(%arg9 : memref<!tpu.dma_semaphore, #tpu.memory_space<semaphore_mem>>)
    %dma_wait3A = arith.constant 0 : i32
    %dma_wait3A_12 = tpu.memref_slice %arg5[%dma_wait3A] : memref<128xi32, #tpu.memory_space<vmem>> -> memref<8xi32, #tpu.memory_space<vmem>>
    %dma_wait3A_13 = arith.constant 0 : i32
    %dma_wait3A_14 = arith.constant 0 : i32
    %dma_wait3A_15 = tpu.memref_slice %arg2[%dma_wait3A_13, %dma_wait3A_14] : memref<2048x4096xi32, #tpu.memory_space<hbm>> -> memref<2048x4096xi32, #tpu.memory_space<hbm>>
    tpu.wait_indirect_dma semaphore(%arg9 : memref<!tpu.dma_semaphore, #tpu.memory_space<semaphore_mem>>) src(%dma_wait3A_15 : memref<2048x4096xi32, #tpu.memory_space<hbm>>) dst(%arg6 : memref<8x4096xi32, #tpu.memory_space<vmem>>)
    %dma_start3A_16 = arith.constant 16 : i32
    %dma_start3A_17 = tpu.memref_slice %arg5[%dma_start3A_16] : memref<128xi32, #tpu.memory_space<vmem>> -> memref<8xi32, #tpu.memory_space<vmem>>
    %dma_start3A_18 = arith.constant 0 : i32
    %dma_start3A_19 = arith.constant 0 : i32
    %dma_start3A_20 = tpu.memref_slice %arg2[%dma_start3A_18, %dma_start3A_19] : memref<2048x4096xi32, #tpu.memory_space<hbm>> -> memref<2048x4096xi32, #tpu.memory_space<hbm>>
    tpu.enqueue_indirect_dma source(%dma_start3A_20 : memref<2048x4096xi32, #tpu.memory_space<hbm>>) target(%arg8 : memref<8x4096xi32, #tpu.memory_space<vmem>>) offsets(%dma_start3A_17 : memref<8xi32, #tpu.memory_space<vmem>>) semaphore(%arg9 : memref<!tpu.dma_semaphore, #tpu.memory_space<semaphore_mem>>)
    %add3A_21 = arith.constant 0 : i32
    %add3A_22 = arith.addi %mul3A_2, %add3A_21 : i32
    %dma_start3A_23 = arith.constant 0 : i32
    %dma_start3A_24 = tpu.memref_slice %arg4[%add3A_22, %dma_start3A_23] : memref<4096x4096xi32, #tpu.memory_space<hbm>> -> memref<8x4096xi32, #tpu.memory_space<hbm>>
    %dma_start3A_25 = arith.constant 0 : i32
    %dma_start3A_26 = tpu.memref_slice %arg4[%add3A_22, %dma_start3A_25] : memref<4096x4096xi32, #tpu.memory_space<hbm>> -> memref<8x4096xi32, #tpu.memory_space<hbm>>
    tpu.enqueue_dma source(%arg6 : memref<8x4096xi32, #tpu.memory_space<vmem>>) target(%dma_start3A_26 : memref<8x4096xi32, #tpu.memory_space<hbm>>) target_semaphore(%arg10 : memref<!tpu.dma_semaphore, #tpu.memory_space<semaphore_mem>>)
    %dma_wait3A_27 = arith.constant 8 : i32
    %dma_wait3A_28 = tpu.memref_slice %arg5[%dma_wait3A_27] : memref<128xi32, #tpu.memory_space<vmem>> -> memref<8xi32, #tpu.memory_space<vmem>>
    %dma_wait3A_29 = arith.constant 0 : i32
    %dma_wait3A_30 = arith.constant 0 : i32
    %dma_wait3A_31 = tpu.memref_slice %arg2[%dma_wait3A_29, %dma_wait3A_30] : memref<2048x4096xi32, #tpu.memory_space<hbm>> -> memref<2048x4096xi32, #tpu.memory_space<hbm>>
    tpu.wait_indirect_dma semaphore(%arg9 : memref<!tpu.dma_semaphore, #tpu.memory_space<semaphore_mem>>) src(%dma_wait3A_31 : memref<2048x4096xi32, #tpu.memory_space<hbm>>) dst(%arg7 : memref<8x4096xi32, #tpu.memory_space<vmem>>)
    %dma_wait3A_32 = arith.constant 0 : i32
    %dma_wait3A_33 = tpu.memref_slice %arg4[%add3A_22, %dma_wait3A_32] : memref<4096x4096xi32, #tpu.memory_space<hbm>> -> memref<8x4096xi32, #tpu.memory_space<hbm>>
    %dma_wait3A_34 = arith.constant 0 : i32
    %dma_wait3A_35 = tpu.memref_slice %arg4[%add3A_22, %dma_wait3A_34] : memref<4096x4096xi32, #tpu.memory_space<hbm>> -> memref<8x4096xi32, #tpu.memory_space<hbm>>
    tpu.wait_dma2 semaphore(%arg10 : memref<!tpu.dma_semaphore, #tpu.memory_space<semaphore_mem>>) src(%arg6 : memref<8x4096xi32, #tpu.memory_space<vmem>>) dst(%dma_wait3A_35 : memref<8x4096xi32, #tpu.memory_space<hbm>>)
    %dma_start3A_36 = arith.constant 24 : i32
    %dma_start3A_37 = tpu.memref_slice %arg5[%dma_start3A_36] : memref<128xi32, #tpu.memory_space<vmem>> -> memref<8xi32, #tpu.memory_space<vmem>>
    %dma_start3A_38 = arith.constant 0 : i32
    %dma_start3A_39 = arith.constant 0 : i32
    %dma_start3A_40 = tpu.memref_slice %arg2[%dma_start3A_38, %dma_start3A_39] : memref<2048x4096xi32, #tpu.memory_space<hbm>> -> memref<2048x4096xi32, #tpu.memory_space<hbm>>
    tpu.enqueue_indirect_dma source(%dma_start3A_40 : memref<2048x4096xi32, #tpu.memory_space<hbm>>) target(%arg6 : memref<8x4096xi32, #tpu.memory_space<vmem>>) offsets(%dma_start3A_37 : memref<8xi32, #tpu.memory_space<vmem>>) semaphore(%arg9 : memref<!tpu.dma_semaphore, #tpu.memory_space<semaphore_mem>>)
    %add3A_41 = arith.constant 8 : i32
    %add3A_42 = arith.addi %mul3A_2, %add3A_41 : i32
    %dma_start3A_43 = arith.constant 0 : i32
    %dma_start3A_44 = tpu.memref_slice %arg4[%add3A_42, %dma_start3A_43] : memref<4096x4096xi32, #tpu.memory_space<hbm>> -> memref<8x4096xi32, #tpu.memory_space<hbm>>
    %dma_start3A_45 = arith.constant 0 : i32
    %dma_start3A_46 = tpu.memref_slice %arg4[%add3A_42, %dma_start3A_45] : memref<4096x4096xi32, #tpu.memory_space<hbm>> -> memref<8x4096xi32, #tpu.memory_space<hbm>>
    tpu.enqueue_dma source(%arg7 : memref<8x4096xi32, #tpu.memory_space<vmem>>) target(%dma_start3A_46 : memref<8x4096xi32, #tpu.memory_space<hbm>>) target_semaphore(%arg10 : memref<!tpu.dma_semaphore, #tpu.memory_space<semaphore_mem>>)
    %dma_wait3A_47 = arith.constant 16 : i32
    %dma_wait3A_48 = tpu.memref_slice %arg5[%dma_wait3A_47] : memref<128xi32, #tpu.memory_space<vmem>> -> memref<8xi32, #tpu.memory_space<vmem>>
    %dma_wait3A_49 = arith.constant 0 : i32
    %dma_wait3A_50 = arith.constant 0 : i32
    %dma_wait3A_51 = tpu.memref_slice %arg2[%dma_wait3A_49, %dma_wait3A_50] : memref<2048x4096xi32, #tpu.memory_space<hbm>> -> memref<2048x4096xi32, #tpu.memory_space<hbm>>
    tpu.wait_indirect_dma semaphore(%arg9 : memref<!tpu.dma_semaphore, #tpu.memory_space<semaphore_mem>>) src(%dma_wait3A_51 : memref<2048x4096xi32, #tpu.memory_space<hbm>>) dst(%arg8 : memref<8x4096xi32, #tpu.memory_space<vmem>>)
    %dma_wait3A_52 = arith.constant 0 : i32
    %dma_wait3A_53 = tpu.memref_slice %arg4[%add3A_42, %dma_wait3A_52] : memref<4096x4096xi32, #tpu.memory_space<hbm>> -> memref<8x4096xi32, #tpu.memory_space<hbm>>
    %dma_wait3A_54 = arith.constant 0 : i32
    %dma_wait3A_55 = tpu.memref_slice %arg4[%add3A_42, %dma_wait3A_54] : memref<4096x4096xi32, #tpu.memory_space<hbm>> -> memref<8x4096xi32, #tpu.memory_space<hbm>>
    tpu.wait_dma2 semaphore(%arg10 : memref<!tpu.dma_semaphore, #tpu.memory_space<semaphore_mem>>) src(%arg7 : memref<8x4096xi32, #tpu.memory_space<vmem>>) dst(%dma_wait3A_55 : memref<8x4096xi32, #tpu.memory_space<hbm>>)
    %dma_start3A_56 = arith.constant 32 : i32
    %dma_start3A_57 = tpu.memref_slice %arg5[%dma_start3A_56] : memref<128xi32, #tpu.memory_space<vmem>> -> memref<8xi32, #tpu.memory_space<vmem>>
    %dma_start3A_58 = arith.constant 0 : i32
    %dma_start3A_59 = arith.constant 0 : i32
    %dma_start3A_60 = tpu.memref_slice %arg2[%dma_start3A_58, %dma_start3A_59] : memref<2048x4096xi32, #tpu.memory_space<hbm>> -> memref<2048x4096xi32, #tpu.memory_space<hbm>>
    tpu.enqueue_indirect_dma source(%dma_start3A_60 : memref<2048x4096xi32, #tpu.memory_space<hbm>>) target(%arg7 : memref<8x4096xi32, #tpu.memory_space<vmem>>) offsets(%dma_start3A_57 : memref<8xi32, #tpu.memory_space<vmem>>) semaphore(%arg9 : memref<!tpu.dma_semaphore, #tpu.memory_space<semaphore_mem>>)
    %add3A_61 = arith.constant 16 : i32
    %add3A_62 = arith.addi %mul3A_2, %add3A_61 : i32
    %dma_start3A_63 = arith.constant 0 : i32
    %dma_start3A_64 = tpu.memref_slice %arg4[%add3A_62, %dma_start3A_63] : memref<4096x4096xi32, #tpu.memory_space<hbm>> -> memref<8x4096xi32, #tpu.memory_space<hbm>>
    %dma_start3A_65 = arith.constant 0 : i32
    %dma_start3A_66 = tpu.memref_slice %arg4[%add3A_62, %dma_start3A_65] : memref<4096x4096xi32, #tpu.memory_space<hbm>> -> memref<8x4096xi32, #tpu.memory_space<hbm>>
    tpu.enqueue_dma source(%arg8 : memref<8x4096xi32, #tpu.memory_space<vmem>>) target(%dma_start3A_66 : memref<8x4096xi32, #tpu.memory_space<hbm>>) target_semaphore(%arg10 : memref<!tpu.dma_semaphore, #tpu.memory_space<semaphore_mem>>)
    %dma_wait3A_67 = arith.constant 24 : i32
    %dma_wait3A_68 = tpu.memref_slice %arg5[%dma_wait3A_67] : memref<128xi32, #tpu.memory_space<vmem>> -> memref<8xi32, #tpu.memory_space<vmem>>
    %dma_wait3A_69 = arith.constant 0 : i32
    %dma_wait3A_70 = arith.constant 0 : i32
    %dma_wait3A_71 = tpu.memref_slice %arg2[%dma_wait3A_69, %dma_wait3A_70] : memref<2048x4096xi32, #tpu.memory_space<hbm>> -> memref<2048x4096xi32, #tpu.memory_space<hbm>>
    tpu.wait_indirect_dma semaphore(%arg9 : memref<!tpu.dma_semaphore, #tpu.memory_space<semaphore_mem>>) src(%dma_wait3A_71 : memref<2048x4096xi32, #tpu.memory_space<hbm>>) dst(%arg6 : memref<8x4096xi32, #tpu.memory_space<vmem>>)
    %dma_wait3A_72 = arith.constant 0 : i32
    %dma_wait3A_73 = tpu.memref_slice %arg4[%add3A_62, %dma_wait3A_72] : memref<4096x4096xi32, #tpu.memory_space<hbm>> -> memref<8x4096xi32, #tpu.memory_space<hbm>>
    %dma_wait3A_74 = arith.constant 0 : i32
    %dma_wait3A_75 = tpu.memref_slice %arg4[%add3A_62, %dma_wait3A_74] : memref<4096x4096xi32, #tpu.memory_space<hbm>> -> memref<8x4096xi32, #tpu.memory_space<hbm>>
    tpu.wait_dma2 semaphore(%arg10 : memref<!tpu.dma_semaphore, #tpu.memory_space<semaphore_mem>>) src(%arg8 : memref<8x4096xi32, #tpu.memory_space<vmem>>) dst(%dma_wait3A_75 : memref<8x4096xi32, #tpu.memory_space<hbm>>)
    %dma_start3A_76 = arith.constant 40 : i32
    %dma_start3A_77 = tpu.memref_slice %arg5[%dma_start3A_76] : memref<128xi32, #tpu.memory_space<vmem>> -> memref<8xi32, #tpu.memory_space<vmem>>
    %dma_start3A_78 = arith.constant 0 : i32
    %dma_start3A_79 = arith.constant 0 : i32
    %dma_start3A_80 = tpu.memref_slice %arg2[%dma_start3A_78, %dma_start3A_79] : memref<2048x4096xi32, #tpu.memory_space<hbm>> -> memref<2048x4096xi32, #tpu.memory_space<hbm>>
    tpu.enqueue_indirect_dma source(%dma_start3A_80 : memref<2048x4096xi32, #tpu.memory_space<hbm>>) target(%arg8 : memref<8x4096xi32, #tpu.memory_space<vmem>>) offsets(%dma_start3A_77 : memref<8xi32, #tpu.memory_space<vmem>>) semaphore(%arg9 : memref<!tpu.dma_semaphore, #tpu.memory_space<semaphore_mem>>)
    %add3A_81 = arith.constant 24 : i32
    %add3A_82 = arith.addi %mul3A_2, %add3A_81 : i32
    %dma_start3A_83 = arith.constant 0 : i32
    %dma_start3A_84 = tpu.memref_slice %arg4[%add3A_82, %dma_start3A_83] : memref<4096x4096xi32, #tpu.memory_space<hbm>> -> memref<8x4096xi32, #tpu.memory_space<hbm>>
    %dma_start3A_85 = arith.constant 0 : i32
    %dma_start3A_86 = tpu.memref_slice %arg4[%add3A_82, %dma_start3A_85] : memref<4096x4096xi32, #tpu.memory_space<hbm>> -> memref<8x4096xi32, #tpu.memory_space<hbm>>
    tpu.enqueue_dma source(%arg6 : memref<8x4096xi32, #tpu.memory_space<vmem>>) target(%dma_start3A_86 : memref<8x4096xi32, #tpu.memory_space<hbm>>) target_semaphore(%arg10 : memref<!tpu.dma_semaphore, #tpu.memory_space<semaphore_mem>>)
    %dma_wait3A_87 = arith.constant 32 : i32
    %dma_wait3A_88 = tpu.memref_slice %arg5[%dma_wait3A_87] : memref<128xi32, #tpu.memory_space<vmem>> -> memref<8xi32, #tpu.memory_space<vmem>>
    %dma_wait3A_89 = arith.constant 0 : i32
    %dma_wait3A_90 = arith.constant 0 : i32
    %dma_wait3A_91 = tpu.memref_slice %arg2[%dma_wait3A_89, %dma_wait3A_90] : memref<2048x4096xi32, #tpu.memory_space<hbm>> -> memref<2048x4096xi32, #tpu.memory_space<hbm>>
    tpu.wait_indirect_dma semaphore(%arg9 : memref<!tpu.dma_semaphore, #tpu.memory_space<semaphore_mem>>) src(%dma_wait3A_91 : memref<2048x4096xi32, #tpu.memory_space<hbm>>) dst(%arg7 : memref<8x4096xi32, #tpu.memory_space<vmem>>)
    %dma_wait3A_92 = arith.constant 0 : i32
    %dma_wait3A_93 = tpu.memref_slice %arg4[%add3A_82, %dma_wait3A_92] : memref<4096x4096xi32, #tpu.memory_space<hbm>> -> memref<8x4096xi32, #tpu.memory_space<hbm>>
    %dma_wait3A_94 = arith.constant 0 : i32
    %dma_wait3A_95 = tpu.memref_slice %arg4[%add3A_82, %dma_wait3A_94] : memref<4096x4096xi32, #tpu.memory_space<hbm>> -> memref<8x4096xi32, #tpu.memory_space<hbm>>
    tpu.wait_dma2 semaphore(%arg10 : memref<!tpu.dma_semaphore, #tpu.memory_space<semaphore_mem>>) src(%arg6 : memref<8x4096xi32, #tpu.memory_space<vmem>>) dst(%dma_wait3A_95 : memref<8x4096xi32, #tpu.memory_space<hbm>>)
    %dma_start3A_96 = arith.constant 48 : i32
    %dma_start3A_97 = tpu.memref_slice %arg5[%dma_start3A_96] : memref<128xi32, #tpu.memory_space<vmem>> -> memref<8xi32, #tpu.memory_space<vmem>>
    %dma_start3A_98 = arith.constant 0 : i32
    %dma_start3A_99 = arith.constant 0 : i32
    %dma_start3A_100 = tpu.memref_slice %arg2[%dma_start3A_98, %dma_start3A_99] : memref<2048x4096xi32, #tpu.memory_space<hbm>> -> memref<2048x4096xi32, #tpu.memory_space<hbm>>
    tpu.enqueue_indirect_dma source(%dma_start3A_100 : memref<2048x4096xi32, #tpu.memory_space<hbm>>) target(%arg6 : memref<8x4096xi32, #tpu.memory_space<vmem>>) offsets(%dma_start3A_97 : memref<8xi32, #tpu.memory_space<vmem>>) semaphore(%arg9 : memref<!tpu.dma_semaphore, #tpu.memory_space<semaphore_mem>>)
    %add3A_101 = arith.constant 32 : i32
    %add3A_102 = arith.addi %mul3A_2, %add3A_101 : i32
    %dma_start3A_103 = arith.constant 0 : i32
    %dma_start3A_104 = tpu.memref_slice %arg4[%add3A_102, %dma_start3A_103] : memref<4096x4096xi32, #tpu.memory_space<hbm>> -> memref<8x4096xi32, #tpu.memory_space<hbm>>
    %dma_start3A_105 = arith.constant 0 : i32
    %dma_start3A_106 = tpu.memref_slice %arg4[%add3A_102, %dma_start3A_105] : memref<4096x4096xi32, #tpu.memory_space<hbm>> -> memref<8x4096xi32, #tpu.memory_space<hbm>>
    tpu.enqueue_dma source(%arg7 : memref<8x4096xi32, #tpu.memory_space<vmem>>) target(%dma_start3A_106 : memref<8x4096xi32, #tpu.memory_space<hbm>>) target_semaphore(%arg10 : memref<!tpu.dma_semaphore, #tpu.memory_space<semaphore_mem>>)
    %dma_wait3A_107 = arith.constant 40 : i32
    %dma_wait3A_108 = tpu.memref_slice %arg5[%dma_wait3A_107] : memref<128xi32, #tpu.memory_space<vmem>> -> memref<8xi32, #tpu.memory_space<vmem>>
    %dma_wait3A_109 = arith.constant 0 : i32
    %dma_wait3A_110 = arith.constant 0 : i32
    %dma_wait3A_111 = tpu.memref_slice %arg2[%dma_wait3A_109, %dma_wait3A_110] : memref<2048x4096xi32, #tpu.memory_space<hbm>> -> memref<2048x4096xi32, #tpu.memory_space<hbm>>
    tpu.wait_indirect_dma semaphore(%arg9 : memref<!tpu.dma_semaphore, #tpu.memory_space<semaphore_mem>>) src(%dma_wait3A_111 : memref<2048x4096xi32, #tpu.memory_space<hbm>>) dst(%arg8 : memref<8x4096xi32, #tpu.memory_space<vmem>>)
    %dma_wait3A_112 = arith.constant 0 : i32
    %dma_wait3A_113 = tpu.memref_slice %arg4[%add3A_102, %dma_wait3A_112] : memref<4096x4096xi32, #tpu.memory_space<hbm>> -> memref<8x4096xi32, #tpu.memory_space<hbm>>
    %dma_wait3A_114 = arith.constant 0 : i32
    %dma_wait3A_115 = tpu.memref_slice %arg4[%add3A_102, %dma_wait3A_114] : memref<4096x4096xi32, #tpu.memory_space<hbm>> -> memref<8x4096xi32, #tpu.memory_space<hbm>>
    tpu.wait_dma2 semaphore(%arg10 : memref<!tpu.dma_semaphore, #tpu.memory_space<semaphore_mem>>) src(%arg7 : memref<8x4096xi32, #tpu.memory_space<vmem>>) dst(%dma_wait3A_115 : memref<8x4096xi32, #tpu.memory_space<hbm>>)
    %dma_start3A_116 = arith.constant 56 : i32
    %dma_start3A_117 = tpu.memref_slice %arg5[%dma_start3A_116] : memref<128xi32, #tpu.memory_space<vmem>> -> memref<8xi32, #tpu.memory_space<vmem>>
    %dma_start3A_118 = arith.constant 0 : i32
    %dma_start3A_119 = arith.constant 0 : i32
    %dma_start3A_120 = tpu.memref_slice %arg2[%dma_start3A_118, %dma_start3A_119] : memref<2048x4096xi32, #tpu.memory_space<hbm>> -> memref<2048x4096xi32, #tpu.memory_space<hbm>>
    tpu.enqueue_indirect_dma source(%dma_start3A_120 : memref<2048x4096xi32, #tpu.memory_space<hbm>>) target(%arg7 : memref<8x4096xi32, #tpu.memory_space<vmem>>) offsets(%dma_start3A_117 : memref<8xi32, #tpu.memory_space<vmem>>) semaphore(%arg9 : memref<!tpu.dma_semaphore, #tpu.memory_space<semaphore_mem>>)
    %add3A_121 = arith.constant 40 : i32
    %add3A_122 = arith.addi %mul3A_2, %add3A_121 : i32
    %dma_start3A_123 = arith.constant 0 : i32
    %dma_start3A_124 = tpu.memref_slice %arg4[%add3A_122, %dma_start3A_123] : memref<4096x4096xi32, #tpu.memory_space<hbm>> -> memref<8x4096xi32, #tpu.memory_space<hbm>>
    %dma_start3A_125 = arith.constant 0 : i32
    %dma_start3A_126 = tpu.memref_slice %arg4[%add3A_122, %dma_start3A_125] : memref<4096x4096xi32, #tpu.memory_space<hbm>> -> memref<8x4096xi32, #tpu.memory_space<hbm>>
    tpu.enqueue_dma source(%arg8 : memref<8x4096xi32, #tpu.memory_space<vmem>>) target(%dma_start3A_126 : memref<8x4096xi32, #tpu.memory_space<hbm>>) target_semaphore(%arg10 : memref<!tpu.dma_semaphore, #tpu.memory_space<semaphore_mem>>)
    %dma_wait3A_127 = arith.constant 48 : i32
    %dma_wait3A_128 = tpu.memref_slice %arg5[%dma_wait3A_127] : memref<128xi32, #tpu.memory_space<vmem>> -> memref<8xi32, #tpu.memory_space<vmem>>
    %dma_wait3A_129 = arith.constant 0 : i32
    %dma_wait3A_130 = arith.constant 0 : i32
    %dma_wait3A_131 = tpu.memref_slice %arg2[%dma_wait3A_129, %dma_wait3A_130] : memref<2048x4096xi32, #tpu.memory_space<hbm>> -> memref<2048x4096xi32, #tpu.memory_space<hbm>>
    tpu.wait_indirect_dma semaphore(%arg9 : memref<!tpu.dma_semaphore, #tpu.memory_space<semaphore_mem>>) src(%dma_wait3A_131 : memref<2048x4096xi32, #tpu.memory_space<hbm>>) dst(%arg6 : memref<8x4096xi32, #tpu.memory_space<vmem>>)
    %dma_wait3A_132 = arith.constant 0 : i32
    %dma_wait3A_133 = tpu.memref_slice %arg4[%add3A_122, %dma_wait3A_132] : memref<4096x4096xi32, #tpu.memory_space<hbm>> -> memref<8x4096xi32, #tpu.memory_space<hbm>>
    %dma_wait3A_134 = arith.constant 0 : i32
    %dma_wait3A_135 = tpu.memref_slice %arg4[%add3A_122, %dma_wait3A_134] : memref<4096x4096xi32, #tpu.memory_space<hbm>> -> memref<8x4096xi32, #tpu.memory_space<hbm>>
    tpu.wait_dma2 semaphore(%arg10 : memref<!tpu.dma_semaphore, #tpu.memory_space<semaphore_mem>>) src(%arg8 : memref<8x4096xi32, #tpu.memory_space<vmem>>) dst(%dma_wait3A_135 : memref<8x4096xi32, #tpu.memory_space<hbm>>)
    %dma_start3A_136 = arith.constant 64 : i32
    %dma_start3A_137 = tpu.memref_slice %arg5[%dma_start3A_136] : memref<128xi32, #tpu.memory_space<vmem>> -> memref<8xi32, #tpu.memory_space<vmem>>
    %dma_start3A_138 = arith.constant 0 : i32
    %dma_start3A_139 = arith.constant 0 : i32
    %dma_start3A_140 = tpu.memref_slice %arg2[%dma_start3A_138, %dma_start3A_139] : memref<2048x4096xi32, #tpu.memory_space<hbm>> -> memref<2048x4096xi32, #tpu.memory_space<hbm>>
    tpu.enqueue_indirect_dma source(%dma_start3A_140 : memref<2048x4096xi32, #tpu.memory_space<hbm>>) target(%arg8 : memref<8x4096xi32, #tpu.memory_space<vmem>>) offsets(%dma_start3A_137 : memref<8xi32, #tpu.memory_space<vmem>>) semaphore(%arg9 : memref<!tpu.dma_semaphore, #tpu.memory_space<semaphore_mem>>)
    %add3A_141 = arith.constant 48 : i32
    %add3A_142 = arith.addi %mul3A_2, %add3A_141 : i32
    %dma_start3A_143 = arith.constant 0 : i32
    %dma_start3A_144 = tpu.memref_slice %arg4[%add3A_142, %dma_start3A_143] : memref<4096x4096xi32, #tpu.memory_space<hbm>> -> memref<8x4096xi32, #tpu.memory_space<hbm>>
    %dma_start3A_145 = arith.constant 0 : i32
    %dma_start3A_146 = tpu.memref_slice %arg4[%add3A_142, %dma_start3A_145] : memref<4096x4096xi32, #tpu.memory_space<hbm>> -> memref<8x4096xi32, #tpu.memory_space<hbm>>
    tpu.enqueue_dma source(%arg6 : memref<8x4096xi32, #tpu.memory_space<vmem>>) target(%dma_start3A_146 : memref<8x4096xi32, #tpu.memory_space<hbm>>) target_semaphore(%arg10 : memref<!tpu.dma_semaphore, #tpu.memory_space<semaphore_mem>>)
    %dma_wait3A_147 = arith.constant 56 : i32
    %dma_wait3A_148 = tpu.memref_slice %arg5[%dma_wait3A_147] : memref<128xi32, #tpu.memory_space<vmem>> -> memref<8xi32, #tpu.memory_space<vmem>>
    %dma_wait3A_149 = arith.constant 0 : i32
    %dma_wait3A_150 = arith.constant 0 : i32
    %dma_wait3A_151 = tpu.memref_slice %arg2[%dma_wait3A_149, %dma_wait3A_150] : memref<2048x4096xi32, #tpu.memory_space<hbm>> -> memref<2048x4096xi32, #tpu.memory_space<hbm>>
    tpu.wait_indirect_dma semaphore(%arg9 : memref<!tpu.dma_semaphore, #tpu.memory_space<semaphore_mem>>) src(%dma_wait3A_151 : memref<2048x4096xi32, #tpu.memory_space<hbm>>) dst(%arg7 : memref<8x4096xi32, #tpu.memory_space<vmem>>)
    %dma_wait3A_152 = arith.constant 0 : i32
    %dma_wait3A_153 = tpu.memref_slice %arg4[%add3A_142, %dma_wait3A_152] : memref<4096x4096xi32, #tpu.memory_space<hbm>> -> memref<8x4096xi32, #tpu.memory_space<hbm>>
    %dma_wait3A_154 = arith.constant 0 : i32
    %dma_wait3A_155 = tpu.memref_slice %arg4[%add3A_142, %dma_wait3A_154] : memref<4096x4096xi32, #tpu.memory_space<hbm>> -> memref<8x4096xi32, #tpu.memory_space<hbm>>
    tpu.wait_dma2 semaphore(%arg10 : memref<!tpu.dma_semaphore, #tpu.memory_space<semaphore_mem>>) src(%arg6 : memref<8x4096xi32, #tpu.memory_space<vmem>>) dst(%dma_wait3A_155 : memref<8x4096xi32, #tpu.memory_space<hbm>>)
    %dma_start3A_156 = arith.constant 72 : i32
    %dma_start3A_157 = tpu.memref_slice %arg5[%dma_start3A_156] : memref<128xi32, #tpu.memory_space<vmem>> -> memref<8xi32, #tpu.memory_space<vmem>>
    %dma_start3A_158 = arith.constant 0 : i32
    %dma_start3A_159 = arith.constant 0 : i32
    %dma_start3A_160 = tpu.memref_slice %arg2[%dma_start3A_158, %dma_start3A_159] : memref<2048x4096xi32, #tpu.memory_space<hbm>> -> memref<2048x4096xi32, #tpu.memory_space<hbm>>
    tpu.enqueue_indirect_dma source(%dma_start3A_160 : memref<2048x4096xi32, #tpu.memory_space<hbm>>) target(%arg6 : memref<8x4096xi32, #tpu.memory_space<vmem>>) offsets(%dma_start3A_157 : memref<8xi32, #tpu.memory_space<vmem>>) semaphore(%arg9 : memref<!tpu.dma_semaphore, #tpu.memory_space<semaphore_mem>>)
    %add3A_161 = arith.constant 56 : i32
    %add3A_162 = arith.addi %mul3A_2, %add3A_161 : i32
    %dma_start3A_163 = arith.constant 0 : i32
    %dma_start3A_164 = tpu.memref_slice %arg4[%add3A_162, %dma_start3A_163] : memref<4096x4096xi32, #tpu.memory_space<hbm>> -> memref<8x4096xi32, #tpu.memory_space<hbm>>
    %dma_start3A_165 = arith.constant 0 : i32
    %dma_start3A_166 = tpu.memref_slice %arg4[%add3A_162, %dma_start3A_165] : memref<4096x4096xi32, #tpu.memory_space<hbm>> -> memref<8x4096xi32, #tpu.memory_space<hbm>>
    tpu.enqueue_dma source(%arg7 : memref<8x4096xi32, #tpu.memory_space<vmem>>) target(%dma_start3A_166 : memref<8x4096xi32, #tpu.memory_space<hbm>>) target_semaphore(%arg10 : memref<!tpu.dma_semaphore, #tpu.memory_space<semaphore_mem>>)
    %dma_wait3A_167 = arith.constant 64 : i32
    %dma_wait3A_168 = tpu.memref_slice %arg5[%dma_wait3A_167] : memref<128xi32, #tpu.memory_space<vmem>> -> memref<8xi32, #tpu.memory_space<vmem>>
    %dma_wait3A_169 = arith.constant 0 : i32
    %dma_wait3A_170 = arith.constant 0 : i32
    %dma_wait3A_171 = tpu.memref_slice %arg2[%dma_wait3A_169, %dma_wait3A_170] : memref<2048x4096xi32, #tpu.memory_space<hbm>> -> memref<2048x4096xi32, #tpu.memory_space<hbm>>
    tpu.wait_indirect_dma semaphore(%arg9 : memref<!tpu.dma_semaphore, #tpu.memory_space<semaphore_mem>>) src(%dma_wait3A_171 : memref<2048x4096xi32, #tpu.memory_space<hbm>>) dst(%arg8 : memref<8x4096xi32, #tpu.memory_space<vmem>>)
    %dma_wait3A_172 = arith.constant 0 : i32
    %dma_wait3A_173 = tpu.memref_slice %arg4[%add3A_162, %dma_wait3A_172] : memref<4096x4096xi32, #tpu.memory_space<hbm>> -> memref<8x4096xi32, #tpu.memory_space<hbm>>
    %dma_wait3A_174 = arith.constant 0 : i32
    %dma_wait3A_175 = tpu.memref_slice %arg4[%add3A_162, %dma_wait3A_174] : memref<4096x4096xi32, #tpu.memory_space<hbm>> -> memref<8x4096xi32, #tpu.memory_space<hbm>>
    tpu.wait_dma2 semaphore(%arg10 : memref<!tpu.dma_semaphore, #tpu.memory_space<semaphore_mem>>) src(%arg7 : memref<8x4096xi32, #tpu.memory_space<vmem>>) dst(%dma_wait3A_175 : memref<8x4096xi32, #tpu.memory_space<hbm>>)
    %dma_start3A_176 = arith.constant 80 : i32
    %dma_start3A_177 = tpu.memref_slice %arg5[%dma_start3A_176] : memref<128xi32, #tpu.memory_space<vmem>> -> memref<8xi32, #tpu.memory_space<vmem>>
    %dma_start3A_178 = arith.constant 0 : i32
    %dma_start3A_179 = arith.constant 0 : i32
    %dma_start3A_180 = tpu.memref_slice %arg2[%dma_start3A_178, %dma_start3A_179] : memref<2048x4096xi32, #tpu.memory_space<hbm>> -> memref<2048x4096xi32, #tpu.memory_space<hbm>>
    tpu.enqueue_indirect_dma source(%dma_start3A_180 : memref<2048x4096xi32, #tpu.memory_space<hbm>>) target(%arg7 : memref<8x4096xi32, #tpu.memory_space<vmem>>) offsets(%dma_start3A_177 : memref<8xi32, #tpu.memory_space<vmem>>) semaphore(%arg9 : memref<!tpu.dma_semaphore, #tpu.memory_space<semaphore_mem>>)
    %add3A_181 = arith.constant 64 : i32
    %add3A_182 = arith.addi %mul3A_2, %add3A_181 : i32
    %dma_start3A_183 = arith.constant 0 : i32
    %dma_start3A_184 = tpu.memref_slice %arg4[%add3A_182, %dma_start3A_183] : memref<4096x4096xi32, #tpu.memory_space<hbm>> -> memref<8x4096xi32, #tpu.memory_space<hbm>>
    %dma_start3A_185 = arith.constant 0 : i32
    %dma_start3A_186 = tpu.memref_slice %arg4[%add3A_182, %dma_start3A_185] : memref<4096x4096xi32, #tpu.memory_space<hbm>> -> memref<8x4096xi32, #tpu.memory_space<hbm>>
    tpu.enqueue_dma source(%arg8 : memref<8x4096xi32, #tpu.memory_space<vmem>>) target(%dma_start3A_186 : memref<8x4096xi32, #tpu.memory_space<hbm>>) target_semaphore(%arg10 : memref<!tpu.dma_semaphore, #tpu.memory_space<semaphore_mem>>)
    %dma_wait3A_187 = arith.constant 72 : i32
    %dma_wait3A_188 = tpu.memref_slice %arg5[%dma_wait3A_187] : memref<128xi32, #tpu.memory_space<vmem>> -> memref<8xi32, #tpu.memory_space<vmem>>
    %dma_wait3A_189 = arith.constant 0 : i32
    %dma_wait3A_190 = arith.constant 0 : i32
    %dma_wait3A_191 = tpu.memref_slice %arg2[%dma_wait3A_189, %dma_wait3A_190] : memref<2048x4096xi32, #tpu.memory_space<hbm>> -> memref<2048x4096xi32, #tpu.memory_space<hbm>>
    tpu.wait_indirect_dma semaphore(%arg9 : memref<!tpu.dma_semaphore, #tpu.memory_space<semaphore_mem>>) src(%dma_wait3A_191 : memref<2048x4096xi32, #tpu.memory_space<hbm>>) dst(%arg6 : memref<8x4096xi32, #tpu.memory_space<vmem>>)
    %dma_wait3A_192 = arith.constant 0 : i32
    %dma_wait3A_193 = tpu.memref_slice %arg4[%add3A_182, %dma_wait3A_192] : memref<4096x4096xi32, #tpu.memory_space<hbm>> -> memref<8x4096xi32, #tpu.memory_space<hbm>>
    %dma_wait3A_194 = arith.constant 0 : i32
    %dma_wait3A_195 = tpu.memref_slice %arg4[%add3A_182, %dma_wait3A_194] : memref<4096x4096xi32, #tpu.memory_space<hbm>> -> memref<8x4096xi32, #tpu.memory_space<hbm>>
    tpu.wait_dma2 semaphore(%arg10 : memref<!tpu.dma_semaphore, #tpu.memory_space<semaphore_mem>>) src(%arg8 : memref<8x4096xi32, #tpu.memory_space<vmem>>) dst(%dma_wait3A_195 : memref<8x4096xi32, #tpu.memory_space<hbm>>)
    %dma_start3A_196 = arith.constant 88 : i32
    %dma_start3A_197 = tpu.memref_slice %arg5[%dma_start3A_196] : memref<128xi32, #tpu.memory_space<vmem>> -> memref<8xi32, #tpu.memory_space<vmem>>
    %dma_start3A_198 = arith.constant 0 : i32
    %dma_start3A_199 = arith.constant 0 : i32
    %dma_start3A_200 = tpu.memref_slice %arg2[%dma_start3A_198, %dma_start3A_199] : memref<2048x4096xi32, #tpu.memory_space<hbm>> -> memref<2048x4096xi32, #tpu.memory_space<hbm>>
    tpu.enqueue_indirect_dma source(%dma_start3A_200 : memref<2048x4096xi32, #tpu.memory_space<hbm>>) target(%arg8 : memref<8x4096xi32, #tpu.memory_space<vmem>>) offsets(%dma_start3A_197 : memref<8xi32, #tpu.memory_space<vmem>>) semaphore(%arg9 : memref<!tpu.dma_semaphore, #tpu.memory_space<semaphore_mem>>)
    %add3A_201 = arith.constant 72 : i32
    %add3A_202 = arith.addi %mul3A_2, %add3A_201 : i32
    %dma_start3A_203 = arith.constant 0 : i32
    %dma_start3A_204 = tpu.memref_slice %arg4[%add3A_202, %dma_start3A_203] : memref<4096x4096xi32, #tpu.memory_space<hbm>> -> memref<8x4096xi32, #tpu.memory_space<hbm>>
    %dma_start3A_205 = arith.constant 0 : i32
    %dma_start3A_206 = tpu.memref_slice %arg4[%add3A_202, %dma_start3A_205] : memref<4096x4096xi32, #tpu.memory_space<hbm>> -> memref<8x4096xi32, #tpu.memory_space<hbm>>
    tpu.enqueue_dma source(%arg6 : memref<8x4096xi32, #tpu.memory_space<vmem>>) target(%dma_start3A_206 : memref<8x4096xi32, #tpu.memory_space<hbm>>) target_semaphore(%arg10 : memref<!tpu.dma_semaphore, #tpu.memory_space<semaphore_mem>>)
    %dma_wait3A_207 = arith.constant 80 : i32
    %dma_wait3A_208 = tpu.memref_slice %arg5[%dma_wait3A_207] : memref<128xi32, #tpu.memory_space<vmem>> -> memref<8xi32, #tpu.memory_space<vmem>>
    %dma_wait3A_209 = arith.constant 0 : i32
    %dma_wait3A_210 = arith.constant 0 : i32
    %dma_wait3A_211 = tpu.memref_slice %arg2[%dma_wait3A_209, %dma_wait3A_210] : memref<2048x4096xi32, #tpu.memory_space<hbm>> -> memref<2048x4096xi32, #tpu.memory_space<hbm>>
    tpu.wait_indirect_dma semaphore(%arg9 : memref<!tpu.dma_semaphore, #tpu.memory_space<semaphore_mem>>) src(%dma_wait3A_211 : memref<2048x4096xi32, #tpu.memory_space<hbm>>) dst(%arg7 : memref<8x4096xi32, #tpu.memory_space<vmem>>)
    %dma_wait3A_212 = arith.constant 0 : i32
    %dma_wait3A_213 = tpu.memref_slice %arg4[%add3A_202, %dma_wait3A_212] : memref<4096x4096xi32, #tpu.memory_space<hbm>> -> memref<8x4096xi32, #tpu.memory_space<hbm>>
    %dma_wait3A_214 = arith.constant 0 : i32
    %dma_wait3A_215 = tpu.memref_slice %arg4[%add3A_202, %dma_wait3A_214] : memref<4096x4096xi32, #tpu.memory_space<hbm>> -> memref<8x4096xi32, #tpu.memory_space<hbm>>
    tpu.wait_dma2 semaphore(%arg10 : memref<!tpu.dma_semaphore, #tpu.memory_space<semaphore_mem>>) src(%arg6 : memref<8x4096xi32, #tpu.memory_space<vmem>>) dst(%dma_wait3A_215 : memref<8x4096xi32, #tpu.memory_space<hbm>>)
    %dma_start3A_216 = arith.constant 96 : i32
    %dma_start3A_217 = tpu.memref_slice %arg5[%dma_start3A_216] : memref<128xi32, #tpu.memory_space<vmem>> -> memref<8xi32, #tpu.memory_space<vmem>>
    %dma_start3A_218 = arith.constant 0 : i32
    %dma_start3A_219 = arith.constant 0 : i32
    %dma_start3A_220 = tpu.memref_slice %arg2[%dma_start3A_218, %dma_start3A_219] : memref<2048x4096xi32, #tpu.memory_space<hbm>> -> memref<2048x4096xi32, #tpu.memory_space<hbm>>
    tpu.enqueue_indirect_dma source(%dma_start3A_220 : memref<2048x4096xi32, #tpu.memory_space<hbm>>) target(%arg6 : memref<8x4096xi32, #tpu.memory_space<vmem>>) offsets(%dma_start3A_217 : memref<8xi32, #tpu.memory_space<vmem>>) semaphore(%arg9 : memref<!tpu.dma_semaphore, #tpu.memory_space<semaphore_mem>>)
    %add3A_221 = arith.constant 80 : i32
    %add3A_222 = arith.addi %mul3A_2, %add3A_221 : i32
    %dma_start3A_223 = arith.constant 0 : i32
    %dma_start3A_224 = tpu.memref_slice %arg4[%add3A_222, %dma_start3A_223] : memref<4096x4096xi32, #tpu.memory_space<hbm>> -> memref<8x4096xi32, #tpu.memory_space<hbm>>
    %dma_start3A_225 = arith.constant 0 : i32
    %dma_start3A_226 = tpu.memref_slice %arg4[%add3A_222, %dma_start3A_225] : memref<4096x4096xi32, #tpu.memory_space<hbm>> -> memref<8x4096xi32, #tpu.memory_space<hbm>>
    tpu.enqueue_dma source(%arg7 : memref<8x4096xi32, #tpu.memory_space<vmem>>) target(%dma_start3A_226 : memref<8x4096xi32, #tpu.memory_space<hbm>>) target_semaphore(%arg10 : memref<!tpu.dma_semaphore, #tpu.memory_space<semaphore_mem>>)
    %dma_wait3A_227 = arith.constant 88 : i32
    %dma_wait3A_228 = tpu.memref_slice %arg5[%dma_wait3A_227] : memref<128xi32, #tpu.memory_space<vmem>> -> memref<8xi32, #tpu.memory_space<vmem>>
    %dma_wait3A_229 = arith.constant 0 : i32
    %dma_wait3A_230 = arith.constant 0 : i32
    %dma_wait3A_231 = tpu.memref_slice %arg2[%dma_wait3A_229, %dma_wait3A_230] : memref<2048x4096xi32, #tpu.memory_space<hbm>> -> memref<2048x4096xi32, #tpu.memory_space<hbm>>
    tpu.wait_indirect_dma semaphore(%arg9 : memref<!tpu.dma_semaphore, #tpu.memory_space<semaphore_mem>>) src(%dma_wait3A_231 : memref<2048x4096xi32, #tpu.memory_space<hbm>>) dst(%arg8 : memref<8x4096xi32, #tpu.memory_space<vmem>>)
    %dma_wait3A_232 = arith.constant 0 : i32
    %dma_wait3A_233 = tpu.memref_slice %arg4[%add3A_222, %dma_wait3A_232] : memref<4096x4096xi32, #tpu.memory_space<hbm>> -> memref<8x4096xi32, #tpu.memory_space<hbm>>
    %dma_wait3A_234 = arith.constant 0 : i32
    %dma_wait3A_235 = tpu.memref_slice %arg4[%add3A_222, %dma_wait3A_234] : memref<4096x4096xi32, #tpu.memory_space<hbm>> -> memref<8x4096xi32, #tpu.memory_space<hbm>>
    tpu.wait_dma2 semaphore(%arg10 : memref<!tpu.dma_semaphore, #tpu.memory_space<semaphore_mem>>) src(%arg7 : memref<8x4096xi32, #tpu.memory_space<vmem>>) dst(%dma_wait3A_235 : memref<8x4096xi32, #tpu.memory_space<hbm>>)
    %dma_start3A_236 = arith.constant 104 : i32
    %dma_start3A_237 = tpu.memref_slice %arg5[%dma_start3A_236] : memref<128xi32, #tpu.memory_space<vmem>> -> memref<8xi32, #tpu.memory_space<vmem>>
    %dma_start3A_238 = arith.constant 0 : i32
    %dma_start3A_239 = arith.constant 0 : i32
    %dma_start3A_240 = tpu.memref_slice %arg2[%dma_start3A_238, %dma_start3A_239] : memref<2048x4096xi32, #tpu.memory_space<hbm>> -> memref<2048x4096xi32, #tpu.memory_space<hbm>>
    tpu.enqueue_indirect_dma source(%dma_start3A_240 : memref<2048x4096xi32, #tpu.memory_space<hbm>>) target(%arg7 : memref<8x4096xi32, #tpu.memory_space<vmem>>) offsets(%dma_start3A_237 : memref<8xi32, #tpu.memory_space<vmem>>) semaphore(%arg9 : memref<!tpu.dma_semaphore, #tpu.memory_space<semaphore_mem>>)
    %add3A_241 = arith.constant 88 : i32
    %add3A_242 = arith.addi %mul3A_2, %add3A_241 : i32
    %dma_start3A_243 = arith.constant 0 : i32
    %dma_start3A_244 = tpu.memref_slice %arg4[%add3A_242, %dma_start3A_243] : memref<4096x4096xi32, #tpu.memory_space<hbm>> -> memref<8x4096xi32, #tpu.memory_space<hbm>>
    %dma_start3A_245 = arith.constant 0 : i32
    %dma_start3A_246 = tpu.memref_slice %arg4[%add3A_242, %dma_start3A_245] : memref<4096x4096xi32, #tpu.memory_space<hbm>> -> memref<8x4096xi32, #tpu.memory_space<hbm>>
    tpu.enqueue_dma source(%arg8 : memref<8x4096xi32, #tpu.memory_space<vmem>>) target(%dma_start3A_246 : memref<8x4096xi32, #tpu.memory_space<hbm>>) target_semaphore(%arg10 : memref<!tpu.dma_semaphore, #tpu.memory_space<semaphore_mem>>)
    %dma_wait3A_247 = arith.constant 96 : i32
    %dma_wait3A_248 = tpu.memref_slice %arg5[%dma_wait3A_247] : memref<128xi32, #tpu.memory_space<vmem>> -> memref<8xi32, #tpu.memory_space<vmem>>
    %dma_wait3A_249 = arith.constant 0 : i32
    %dma_wait3A_250 = arith.constant 0 : i32
    %dma_wait3A_251 = tpu.memref_slice %arg2[%dma_wait3A_249, %dma_wait3A_250] : memref<2048x4096xi32, #tpu.memory_space<hbm>> -> memref<2048x4096xi32, #tpu.memory_space<hbm>>
    tpu.wait_indirect_dma semaphore(%arg9 : memref<!tpu.dma_semaphore, #tpu.memory_space<semaphore_mem>>) src(%dma_wait3A_251 : memref<2048x4096xi32, #tpu.memory_space<hbm>>) dst(%arg6 : memref<8x4096xi32, #tpu.memory_space<vmem>>)
    %dma_wait3A_252 = arith.constant 0 : i32
    %dma_wait3A_253 = tpu.memref_slice %arg4[%add3A_242, %dma_wait3A_252] : memref<4096x4096xi32, #tpu.memory_space<hbm>> -> memref<8x4096xi32, #tpu.memory_space<hbm>>
    %dma_wait3A_254 = arith.constant 0 : i32
    %dma_wait3A_255 = tpu.memref_slice %arg4[%add3A_242, %dma_wait3A_254] : memref<4096x4096xi32, #tpu.memory_space<hbm>> -> memref<8x4096xi32, #tpu.memory_space<hbm>>
    tpu.wait_dma2 semaphore(%arg10 : memref<!tpu.dma_semaphore, #tpu.memory_space<semaphore_mem>>) src(%arg8 : memref<8x4096xi32, #tpu.memory_space<vmem>>) dst(%dma_wait3A_255 : memref<8x4096xi32, #tpu.memory_space<hbm>>)
    %dma_start3A_256 = arith.constant 112 : i32
    %dma_start3A_257 = tpu.memref_slice %arg5[%dma_start3A_256] : memref<128xi32, #tpu.memory_space<vmem>> -> memref<8xi32, #tpu.memory_space<vmem>>
    %dma_start3A_258 = arith.constant 0 : i32
    %dma_start3A_259 = arith.constant 0 : i32
    %dma_start3A_260 = tpu.memref_slice %arg2[%dma_start3A_258, %dma_start3A_259] : memref<2048x4096xi32, #tpu.memory_space<hbm>> -> memref<2048x4096xi32, #tpu.memory_space<hbm>>
    tpu.enqueue_indirect_dma source(%dma_start3A_260 : memref<2048x4096xi32, #tpu.memory_space<hbm>>) target(%arg8 : memref<8x4096xi32, #tpu.memory_space<vmem>>) offsets(%dma_start3A_257 : memref<8xi32, #tpu.memory_space<vmem>>) semaphore(%arg9 : memref<!tpu.dma_semaphore, #tpu.memory_space<semaphore_mem>>)
    %add3A_261 = arith.constant 96 : i32
    %add3A_262 = arith.addi %mul3A_2, %add3A_261 : i32
    %dma_start3A_263 = arith.constant 0 : i32
    %dma_start3A_264 = tpu.memref_slice %arg4[%add3A_262, %dma_start3A_263] : memref<4096x4096xi32, #tpu.memory_space<hbm>> -> memref<8x4096xi32, #tpu.memory_space<hbm>>
    %dma_start3A_265 = arith.constant 0 : i32
    %dma_start3A_266 = tpu.memref_slice %arg4[%add3A_262, %dma_start3A_265] : memref<4096x4096xi32, #tpu.memory_space<hbm>> -> memref<8x4096xi32, #tpu.memory_space<hbm>>
    tpu.enqueue_dma source(%arg6 : memref<8x4096xi32, #tpu.memory_space<vmem>>) target(%dma_start3A_266 : memref<8x4096xi32, #tpu.memory_space<hbm>>) target_semaphore(%arg10 : memref<!tpu.dma_semaphore, #tpu.memory_space<semaphore_mem>>)
    %dma_wait3A_267 = arith.constant 104 : i32
    %dma_wait3A_268 = tpu.memref_slice %arg5[%dma_wait3A_267] : memref<128xi32, #tpu.memory_space<vmem>> -> memref<8xi32, #tpu.memory_space<vmem>>
    %dma_wait3A_269 = arith.constant 0 : i32
    %dma_wait3A_270 = arith.constant 0 : i32
    %dma_wait3A_271 = tpu.memref_slice %arg2[%dma_wait3A_269, %dma_wait3A_270] : memref<2048x4096xi32, #tpu.memory_space<hbm>> -> memref<2048x4096xi32, #tpu.memory_space<hbm>>
    tpu.wait_indirect_dma semaphore(%arg9 : memref<!tpu.dma_semaphore, #tpu.memory_space<semaphore_mem>>) src(%dma_wait3A_271 : memref<2048x4096xi32, #tpu.memory_space<hbm>>) dst(%arg7 : memref<8x4096xi32, #tpu.memory_space<vmem>>)
    %dma_wait3A_272 = arith.constant 0 : i32
    %dma_wait3A_273 = tpu.memref_slice %arg4[%add3A_262, %dma_wait3A_272] : memref<4096x4096xi32, #tpu.memory_space<hbm>> -> memref<8x4096xi32, #tpu.memory_space<hbm>>
    %dma_wait3A_274 = arith.constant 0 : i32
    %dma_wait3A_275 = tpu.memref_slice %arg4[%add3A_262, %dma_wait3A_274] : memref<4096x4096xi32, #tpu.memory_space<hbm>> -> memref<8x4096xi32, #tpu.memory_space<hbm>>
    tpu.wait_dma2 semaphore(%arg10 : memref<!tpu.dma_semaphore, #tpu.memory_space<semaphore_mem>>) src(%arg6 : memref<8x4096xi32, #tpu.memory_space<vmem>>) dst(%dma_wait3A_275 : memref<8x4096xi32, #tpu.memory_space<hbm>>)
    %dma_start3A_276 = arith.constant 120 : i32
    %dma_start3A_277 = tpu.memref_slice %arg5[%dma_start3A_276] : memref<128xi32, #tpu.memory_space<vmem>> -> memref<8xi32, #tpu.memory_space<vmem>>
    %dma_start3A_278 = arith.constant 0 : i32
    %dma_start3A_279 = arith.constant 0 : i32
    %dma_start3A_280 = tpu.memref_slice %arg2[%dma_start3A_278, %dma_start3A_279] : memref<2048x4096xi32, #tpu.memory_space<hbm>> -> memref<2048x4096xi32, #tpu.memory_space<hbm>>
    tpu.enqueue_indirect_dma source(%dma_start3A_280 : memref<2048x4096xi32, #tpu.memory_space<hbm>>) target(%arg6 : memref<8x4096xi32, #tpu.memory_space<vmem>>) offsets(%dma_start3A_277 : memref<8xi32, #tpu.memory_space<vmem>>) semaphore(%arg9 : memref<!tpu.dma_semaphore, #tpu.memory_space<semaphore_mem>>)
    %add3A_281 = arith.constant 104 : i32
    %add3A_282 = arith.addi %mul3A_2, %add3A_281 : i32
    %dma_start3A_283 = arith.constant 0 : i32
    %dma_start3A_284 = tpu.memref_slice %arg4[%add3A_282, %dma_start3A_283] : memref<4096x4096xi32, #tpu.memory_space<hbm>> -> memref<8x4096xi32, #tpu.memory_space<hbm>>
    %dma_start3A_285 = arith.constant 0 : i32
    %dma_start3A_286 = tpu.memref_slice %arg4[%add3A_282, %dma_start3A_285] : memref<4096x4096xi32, #tpu.memory_space<hbm>> -> memref<8x4096xi32, #tpu.memory_space<hbm>>
    tpu.enqueue_dma source(%arg7 : memref<8x4096xi32, #tpu.memory_space<vmem>>) target(%dma_start3A_286 : memref<8x4096xi32, #tpu.memory_space<hbm>>) target_semaphore(%arg10 : memref<!tpu.dma_semaphore, #tpu.memory_space<semaphore_mem>>)
    %dma_wait3A_287 = arith.constant 112 : i32
    %dma_wait3A_288 = tpu.memref_slice %arg5[%dma_wait3A_287] : memref<128xi32, #tpu.memory_space<vmem>> -> memref<8xi32, #tpu.memory_space<vmem>>
    %dma_wait3A_289 = arith.constant 0 : i32
    %dma_wait3A_290 = arith.constant 0 : i32
    %dma_wait3A_291 = tpu.memref_slice %arg2[%dma_wait3A_289, %dma_wait3A_290] : memref<2048x4096xi32, #tpu.memory_space<hbm>> -> memref<2048x4096xi32, #tpu.memory_space<hbm>>
    tpu.wait_indirect_dma semaphore(%arg9 : memref<!tpu.dma_semaphore, #tpu.memory_space<semaphore_mem>>) src(%dma_wait3A_291 : memref<2048x4096xi32, #tpu.memory_space<hbm>>) dst(%arg8 : memref<8x4096xi32, #tpu.memory_space<vmem>>)
    %add3A_292 = arith.constant 112 : i32
    %add3A_293 = arith.addi %mul3A_2, %add3A_292 : i32
    %dma_start3A_294 = arith.constant 0 : i32
    %dma_start3A_295 = tpu.memref_slice %arg4[%add3A_293, %dma_start3A_294] : memref<4096x4096xi32, #tpu.memory_space<hbm>> -> memref<8x4096xi32, #tpu.memory_space<hbm>>
    %dma_start3A_296 = arith.constant 0 : i32
    %dma_start3A_297 = tpu.memref_slice %arg4[%add3A_293, %dma_start3A_296] : memref<4096x4096xi32, #tpu.memory_space<hbm>> -> memref<8x4096xi32, #tpu.memory_space<hbm>>
    tpu.enqueue_dma source(%arg8 : memref<8x4096xi32, #tpu.memory_space<vmem>>) target(%dma_start3A_297 : memref<8x4096xi32, #tpu.memory_space<hbm>>) target_semaphore(%arg10 : memref<!tpu.dma_semaphore, #tpu.memory_space<semaphore_mem>>)
    %dma_wait3A_298 = arith.constant 120 : i32
    %dma_wait3A_299 = tpu.memref_slice %arg5[%dma_wait3A_298] : memref<128xi32, #tpu.memory_space<vmem>> -> memref<8xi32, #tpu.memory_space<vmem>>
    %dma_wait3A_300 = arith.constant 0 : i32
    %dma_wait3A_301 = arith.constant 0 : i32
    %dma_wait3A_302 = tpu.memref_slice %arg2[%dma_wait3A_300, %dma_wait3A_301] : memref<2048x4096xi32, #tpu.memory_space<hbm>> -> memref<2048x4096xi32, #tpu.memory_space<hbm>>
    tpu.wait_indirect_dma semaphore(%arg9 : memref<!tpu.dma_semaphore, #tpu.memory_space<semaphore_mem>>) src(%dma_wait3A_302 : memref<2048x4096xi32, #tpu.memory_space<hbm>>) dst(%arg6 : memref<8x4096xi32, #tpu.memory_space<vmem>>)
    %add3A_303 = arith.constant 120 : i32
    %add3A_304 = arith.addi %mul3A_2, %add3A_303 : i32
    %dma_start3A_305 = arith.constant 0 : i32
    %dma_start3A_306 = tpu.memref_slice %arg4[%add3A_304, %dma_start3A_305] : memref<4096x4096xi32, #tpu.memory_space<hbm>> -> memref<8x4096xi32, #tpu.memory_space<hbm>>
    %dma_start3A_307 = arith.constant 0 : i32
    %dma_start3A_308 = tpu.memref_slice %arg4[%add3A_304, %dma_start3A_307] : memref<4096x4096xi32, #tpu.memory_space<hbm>> -> memref<8x4096xi32, #tpu.memory_space<hbm>>
    tpu.enqueue_dma source(%arg6 : memref<8x4096xi32, #tpu.memory_space<vmem>>) target(%dma_start3A_308 : memref<8x4096xi32, #tpu.memory_space<hbm>>) target_semaphore(%arg10 : memref<!tpu.dma_semaphore, #tpu.memory_space<semaphore_mem>>)
    %dma_wait3A_309 = arith.constant 0 : i32
    %dma_wait3A_310 = tpu.memref_slice %arg4[%add3A_282, %dma_wait3A_309] : memref<4096x4096xi32, #tpu.memory_space<hbm>> -> memref<8x4096xi32, #tpu.memory_space<hbm>>
    %dma_wait3A_311 = arith.constant 0 : i32
    %dma_wait3A_312 = tpu.memref_slice %arg4[%add3A_282, %dma_wait3A_311] : memref<4096x4096xi32, #tpu.memory_space<hbm>> -> memref<8x4096xi32, #tpu.memory_space<hbm>>
    tpu.wait_dma2 semaphore(%arg10 : memref<!tpu.dma_semaphore, #tpu.memory_space<semaphore_mem>>) src(%arg7 : memref<8x4096xi32, #tpu.memory_space<vmem>>) dst(%dma_wait3A_312 : memref<8x4096xi32, #tpu.memory_space<hbm>>)
    %dma_wait3A_313 = arith.constant 0 : i32
    %dma_wait3A_314 = tpu.memref_slice %arg4[%add3A_293, %dma_wait3A_313] : memref<4096x4096xi32, #tpu.memory_space<hbm>> -> memref<8x4096xi32, #tpu.memory_space<hbm>>
    %dma_wait3A_315 = arith.constant 0 : i32
    %dma_wait3A_316 = tpu.memref_slice %arg4[%add3A_293, %dma_wait3A_315] : memref<4096x4096xi32, #tpu.memory_space<hbm>> -> memref<8x4096xi32, #tpu.memory_space<hbm>>
    tpu.wait_dma2 semaphore(%arg10 : memref<!tpu.dma_semaphore, #tpu.memory_space<semaphore_mem>>) src(%arg8 : memref<8x4096xi32, #tpu.memory_space<vmem>>) dst(%dma_wait3A_316 : memref<8x4096xi32, #tpu.memory_space<hbm>>)
    %dma_wait3A_317 = arith.constant 0 : i32
    %dma_wait3A_318 = tpu.memref_slice %arg4[%add3A_304, %dma_wait3A_317] : memref<4096x4096xi32, #tpu.memory_space<hbm>> -> memref<8x4096xi32, #tpu.memory_space<hbm>>
    %dma_wait3A_319 = arith.constant 0 : i32
    %dma_wait3A_320 = tpu.memref_slice %arg4[%add3A_304, %dma_wait3A_319] : memref<4096x4096xi32, #tpu.memory_space<hbm>> -> memref<8x4096xi32, #tpu.memory_space<hbm>>
    tpu.wait_dma2 semaphore(%arg10 : memref<!tpu.dma_semaphore, #tpu.memory_space<semaphore_mem>>) src(%arg6 : memref<8x4096xi32, #tpu.memory_space<vmem>>) dst(%dma_wait3A_320 : memref<8x4096xi32, #tpu.memory_space<hbm>>)
    return
  }
}

module attributes {stable_mosaic.version = 14 : i64} {
  func.func @_pack_body(%arg0: i32, %arg1: i32, %arg2: memref<1024x1024xf32, #tpu.memory_space<vmem>>, %arg3: memref<1024x1024xf32, #tpu.memory_space<vmem>>, %arg4: memref<1024x1024xi32, #tpu.memory_space<vmem>>) attributes {dimension_semantics = [#tpu.dimension_semantics<parallel>, #tpu.dimension_semantics<parallel>], iteration_bounds = array<i64: 4, 2>, scalar_prefetch = 0 : i64, scratch_operands = 0 : i64, tpu.core_type = #tpu.core_type<tc>, window_params = [{transform_indices = @transform_0, window_bounds = array<i64: 1024, 1024>}, {transform_indices = @transform_1, window_bounds = array<i64: 1024, 1024>}, {transform_indices = @transform_2, window_bounds = array<i64: 1024, 1024>}]} {
    %get3A = arith.constant 0 : index
    %get3A_0 = arith.constant 0 : index
    %get3A_1 = vector.load %arg2[%get3A, %get3A_0] : memref<1024x1024xf32, #tpu.memory_space<vmem>>, vector<1024x1024xf32>
    %bitcast_convert_type3A = tpu.bitcast %get3A_1 : vector<1024x1024xf32> -> vector<1024x1024xi32>
    %get3A_2 = arith.constant 0 : index
    %get3A_3 = arith.constant 0 : index
    %get3A_4 = vector.load %arg3[%get3A_2, %get3A_3] : memref<1024x1024xf32, #tpu.memory_space<vmem>>, vector<1024x1024xf32>
    %bitcast_convert_type3A_5 = tpu.bitcast %get3A_4 : vector<1024x1024xf32> -> vector<1024x1024xi32>
    %shift_right_logical3A = arith.constant 16 : i32
    %shift_right_logical3A_6 = vector.broadcast %shift_right_logical3A : i32 to vector<1024x1024xi32>
    %shift_right_logical3A_7 = arith.shrui %bitcast_convert_type3A_5, %shift_right_logical3A_6 : vector<1024x1024xi32>
    %and3A = arith.constant 1 : i32
    %and3A_8 = vector.broadcast %and3A : i32 to vector<1024x1024xi32>
    %and3A_9 = arith.andi %shift_right_logical3A_7, %and3A_8 : vector<1024x1024xi32>
    %add3A = arith.constant 32767 : i32
    %add3A_10 = vector.broadcast %add3A : i32 to vector<1024x1024xi32>
    %add3A_11 = arith.addi %bitcast_convert_type3A_5, %add3A_10 : vector<1024x1024xi32>
    %add3A_12 = arith.addi %add3A_11, %and3A_9 : vector<1024x1024xi32>
    %shift_right_logical3A_13 = arith.constant 16 : i32
    %shift_right_logical3A_14 = vector.broadcast %shift_right_logical3A_13 : i32 to vector<1024x1024xi32>
    %shift_right_logical3A_15 = arith.shrui %add3A_12, %shift_right_logical3A_14 : vector<1024x1024xi32>
    %shift_left3A = arith.constant 16 : i32
    %shift_left3A_16 = vector.broadcast %shift_left3A : i32 to vector<1024x1024xi32>
    %shift_left3A_17 = arith.shli %shift_right_logical3A_15, %shift_left3A_16 : vector<1024x1024xi32>
    %shift_right_logical3A_18 = arith.constant 16 : i32
    %shift_right_logical3A_19 = vector.broadcast %shift_right_logical3A_18 : i32 to vector<1024x1024xi32>
    %shift_right_logical3A_20 = arith.shrui %bitcast_convert_type3A, %shift_right_logical3A_19 : vector<1024x1024xi32>
    %and3A_21 = arith.constant 1 : i32
    %and3A_22 = vector.broadcast %and3A_21 : i32 to vector<1024x1024xi32>
    %and3A_23 = arith.andi %shift_right_logical3A_20, %and3A_22 : vector<1024x1024xi32>
    %add3A_24 = arith.constant 32767 : i32
    %add3A_25 = vector.broadcast %add3A_24 : i32 to vector<1024x1024xi32>
    %add3A_26 = arith.addi %bitcast_convert_type3A, %add3A_25 : vector<1024x1024xi32>
    %add3A_27 = arith.addi %add3A_26, %and3A_23 : vector<1024x1024xi32>
    %shift_right_logical3A_28 = arith.constant 16 : i32
    %shift_right_logical3A_29 = vector.broadcast %shift_right_logical3A_28 : i32 to vector<1024x1024xi32>
    %shift_right_logical3A_30 = arith.shrui %add3A_27, %shift_right_logical3A_29 : vector<1024x1024xi32>
    %or3A = arith.ori %shift_left3A_17, %shift_right_logical3A_30 : vector<1024x1024xi32>
    %transpose3A = tpu.transpose %or3A, [1, 0] : vector<1024x1024xi32> -> vector<1024x1024xi32>
    %swap3A = arith.constant 0 : index
    %swap3A_31 = arith.constant 0 : index
    %swap3A_32 = vector.load %arg4[%swap3A, %swap3A_31] : memref<1024x1024xi32, #tpu.memory_space<vmem>>, vector<1024x1024xi32>
    tpu.vector_store %arg4[%swap3A, %swap3A_31], %transpose3A {strides = array<i32>} : memref<1024x1024xi32, #tpu.memory_space<vmem>>, vector<1024x1024xi32>,
    return
  }
  func.func @transform_0(%arg0: i32, %arg1: i32) -> (i32, i32) {
    %mul3A = arith.constant 2 : i32
    %mul3A_0 = arith.muli %mul3A, %arg0 : i32
    %c0_i32 = arith.constant 0 : i32
    return %mul3A_0, %arg1 : i32, i32
  }
  func.func @transform_1(%arg0: i32, %arg1: i32) -> (i32, i32) {
    %mul3A = arith.constant 2 : i32
    %mul3A_0 = arith.muli %mul3A, %arg0 : i32
    %add3A = arith.constant 1 : i32
    %add3A_1 = arith.addi %mul3A_0, %add3A : i32
    %c0_i32 = arith.constant 0 : i32
    return %add3A_1, %arg1 : i32, i32
  }
  func.func @transform_2(%arg0: i32, %arg1: i32) -> (i32, i32) {
    %c0_i32 = arith.constant 0 : i32
    return %arg1, %arg0 : i32, i32
  }
}

module attributes {stable_mosaic.version = 14 : i64} {
  func.func @_idx_coeff_body(%arg0: i32, %arg1: memref<128x2048xf32, #tpu.memory_space<vmem>>, %arg2: memref<128x2048xf32, #tpu.memory_space<vmem>>, %arg3: memref<128x2048xi8, #tpu.memory_space<vmem>>, %arg4: memref<128x2048xi8, #tpu.memory_space<vmem>>, %arg5: memref<128x16xf32, #tpu.memory_space<vmem>>, %arg6: memref<8x128xi32, #tpu.memory_space<vmem>>, %arg7: memref<8x128xf32, #tpu.memory_space<vmem>>) attributes {dimension_semantics = [#tpu.dimension_semantics<parallel>], iteration_bounds = array<i64: 16>, scalar_prefetch = 0 : i64, scratch_operands = 0 : i64, tpu.core_type = #tpu.core_type<tc>, window_params = [{transform_indices = @transform_0, window_bounds = array<i64: 128, 2048>}, {transform_indices = @transform_1, window_bounds = array<i64: 128, 2048>}, {transform_indices = @transform_2, window_bounds = array<i64: 128, 2048>}, {transform_indices = @transform_3, window_bounds = array<i64: 128, 2048>}, {transform_indices = @transform_4, window_bounds = array<i64: 128, 16>}, {transform_indices = @transform_5, window_bounds = array<i64: 8, 128>}, {transform_indices = @transform_6, window_bounds = array<i64: 8, 128>}]} {
    %iota3A = tpu.iota {dimensions = array<i32: 1>} : vector<128x2048xi32>
    %get3A = arith.constant 0 : index
    %get3A_0 = arith.constant 0 : index
    %get3A_1 = vector.load %arg3[%get3A, %get3A_0] : memref<128x2048xi8, #tpu.memory_space<vmem>>, vector<128x2048xi8>
    %ne3A = arith.constant 0 : i8
    %ne3A_2 = vector.broadcast %ne3A : i8 to vector<128x2048xi8>
    %ne3A_3 = arith.cmpi ne, %get3A_1, %ne3A_2 : vector<128x2048xi8>
    %get3A_4 = arith.constant 0 : index
    %get3A_5 = arith.constant 0 : index
    %get3A_6 = vector.load %arg1[%get3A_4, %get3A_5] : memref<128x2048xf32, #tpu.memory_space<vmem>>, vector<128x2048xf32>
    %jit3A = arith.constant -1.000000e+30 : f32
    %broadcast_in_dim3A = vector.broadcast %jit3A : f32 to vector<128x2048xf32>
    %select_n3A = arith.select %ne3A_3, %get3A_6, %broadcast_in_dim3A : vector<128x2048xi1>, vector<128x2048xf32>
    %get3A_7 = arith.constant 0 : index
    %get3A_8 = arith.constant 0 : index
    %get3A_9 = vector.load %arg4[%get3A_7, %get3A_8] : memref<128x2048xi8, #tpu.memory_space<vmem>>, vector<128x2048xi8>
    %ne3A_10 = arith.constant 0 : i8
    %ne3A_11 = vector.broadcast %ne3A_10 : i8 to vector<128x2048xi8>
    %ne3A_12 = arith.cmpi ne, %get3A_9, %ne3A_11 : vector<128x2048xi8>
    %get3A_13 = arith.constant 0 : index
    %get3A_14 = arith.constant 0 : index
    %get3A_15 = vector.load %arg2[%get3A_13, %get3A_14] : memref<128x2048xf32, #tpu.memory_space<vmem>>, vector<128x2048xf32>
    %jit3A_16 = arith.constant -1.000000e+30 : f32
    %broadcast_in_dim3A_17 = vector.broadcast %jit3A_16 : f32 to vector<128x2048xf32>
    %select_n3A_18 = arith.select %ne3A_12, %get3A_15, %broadcast_in_dim3A_17 : vector<128x2048xi1>, vector<128x2048xf32>
    %reduce_max3A = arith.constant dense<0xFF800000> : vector<128xf32>
    %reduce_max3A_19 = vector.multi_reduction <maximumf>, %select_n3A, %reduce_max3A [1] : vector<128x2048xf32> to vector<128xf32>
    %broadcast_in_dim3A_20 = vector.shape_cast %reduce_max3A_19 : vector<128xf32> to vector<128x1xf32>
    %eq3A = vector.broadcast %broadcast_in_dim3A_20 : vector<128x1xf32> to vector<128x2048xf32>
    %eq3A_21 = arith.cmpf oeq, %select_n3A, %eq3A : vector<128x2048xf32>
    %jit3A_22 = arith.constant 2048 : i32
    %broadcast_in_dim3A_23 = vector.broadcast %jit3A_22 : i32 to vector<128x2048xi32>
    %select_n3A_24 = arith.select %eq3A_21, %iota3A, %broadcast_in_dim3A_23 : vector<128x2048xi1>, vector<128x2048xi32>
    %reduce_min3A = arith.constant dense<2147483647> : vector<128xi32>
    %reduce_min3A_25 = vector.multi_reduction <minsi>, %select_n3A_24, %reduce_min3A [1] : vector<128x2048xi32> to vector<128xi32>
    %reduce_max3A_26 = arith.constant dense<0xFF800000> : vector<128xf32>
    %reduce_max3A_27 = vector.multi_reduction <maximumf>, %select_n3A_18, %reduce_max3A_26 [1] : vector<128x2048xf32> to vector<128xf32>
    %broadcast_in_dim3A_28 = vector.shape_cast %reduce_max3A_27 : vector<128xf32> to vector<128x1xf32>
    %eq3A_29 = vector.broadcast %broadcast_in_dim3A_28 : vector<128x1xf32> to vector<128x2048xf32>
    %eq3A_30 = arith.cmpf oeq, %select_n3A_18, %eq3A_29 : vector<128x2048xf32>
    %jit3A_31 = arith.constant 2048 : i32
    %broadcast_in_dim3A_32 = vector.broadcast %jit3A_31 : i32 to vector<128x2048xi32>
    %select_n3A_33 = arith.select %eq3A_30, %iota3A, %broadcast_in_dim3A_32 : vector<128x2048xi1>, vector<128x2048xi32>
    %reduce_min3A_34 = arith.constant dense<2147483647> : vector<128xi32>
    %reduce_min3A_35 = vector.multi_reduction <minsi>, %select_n3A_33, %reduce_min3A_34 [1] : vector<128x2048xi32> to vector<128xi32>
    %broadcast_in_dim3A_36 = arith.constant 0 : i32
    %broadcast_in_dim3A_37 = vector.broadcast %broadcast_in_dim3A_36 : i32 to vector<6x128xi32>
    %broadcast_in_dim3A_38 = vector.shape_cast %reduce_min3A_25 : vector<128xi32> to vector<1x128xi32>
    %broadcast_in_dim3A_39 = vector.shape_cast %reduce_min3A_35 : vector<128xi32> to vector<1x128xi32>
    %concatenate3A = tpu.concatenate %broadcast_in_dim3A_38, %broadcast_in_dim3A_39, %broadcast_in_dim3A_37 in 0 : vector<1x128xi32>, vector<1x128xi32>, vector<6x128xi32> -> vector<8x128xi32>
    %swap3A = arith.constant 0 : index
    %swap3A_40 = arith.constant 0 : index
    %swap3A_41 = vector.load %arg6[%swap3A, %swap3A_40] : memref<8x128xi32, #tpu.memory_space<vmem>>, vector<8x128xi32>
    tpu.vector_store %arg6[%swap3A, %swap3A_40], %concatenate3A {strides = array<i32>} : memref<8x128xi32, #tpu.memory_space<vmem>>, vector<8x128xi32>,
    %iota3A_42 = tpu.iota {dimensions = array<i32: 1>} : vector<128x16xi32>
    %get3A_43 = arith.constant 0 : index
    %get3A_44 = arith.constant 0 : index
    %get3A_45 = vector.load %arg5[%get3A_43, %get3A_44] : memref<128x16xf32, #tpu.memory_space<vmem>>, vector<128x16xf32>
    %reduce_max3A_46 = arith.constant dense<0xFF800000> : vector<128xf32>
    %reduce_max3A_47 = vector.multi_reduction <maximumf>, %get3A_45, %reduce_max3A_46 [1] : vector<128x16xf32> to vector<128xf32>
    %broadcast_in_dim3A_48 = vector.shape_cast %reduce_max3A_47 : vector<128xf32> to vector<128x1xf32>
    %eq3A_49 = vector.broadcast %broadcast_in_dim3A_48 : vector<128x1xf32> to vector<128x16xf32>
    %eq3A_50 = arith.cmpf oeq, %get3A_45, %eq3A_49 : vector<128x16xf32>
    %jit3A_51 = arith.constant 16 : i32
    %broadcast_in_dim3A_52 = vector.broadcast %jit3A_51 : i32 to vector<128x16xi32>
    %select_n3A_53 = arith.select %eq3A_50, %iota3A_42, %broadcast_in_dim3A_52 : vector<128x16xi1>, vector<128x16xi32>
    %reduce_min3A_54 = arith.constant dense<2147483647> : vector<128xi32>
    %reduce_min3A_55 = vector.multi_reduction <minsi>, %select_n3A_53, %reduce_min3A_54 [1] : vector<128x16xi32> to vector<128xi32>
    %broadcast_in_dim3A_56 = vector.shape_cast %reduce_min3A_55 : vector<128xi32> to vector<1x128xi32>
    %broadcast_in_dim3A_57 = arith.constant 0.000000e+00 : f32
    %broadcast_in_dim3A_58 = vector.broadcast %broadcast_in_dim3A_57 : f32 to vector<1x128xf32>
    %eq3A_59 = arith.constant 0 : i32
    %eq3A_60 = vector.broadcast %eq3A_59 : i32 to vector<1x128xi32>
    %eq3A_61 = arith.cmpi eq, %broadcast_in_dim3A_56, %eq3A_60 : vector<1x128xi32>
    %convert_element_type3A = arith.extui %eq3A_61 : vector<1x128xi1> to vector<1x128xi32>
    %convert_element_type3A_62 = arith.sitofp %convert_element_type3A : vector<1x128xi32> to vector<1x128xf32>
    %mul3A = arith.constant 0.000000e+00 : f32
    %mul3A_63 = vector.broadcast %mul3A : f32 to vector<1x128xf32>
    %mul3A_64 = arith.mulf %convert_element_type3A_62, %mul3A_63 : vector<1x128xf32>
    %add3A = arith.addf %broadcast_in_dim3A_58, %mul3A_64 : vector<1x128xf32>
    %mul3A_65 = arith.constant 0.000000e+00 : f32
    %mul3A_66 = vector.broadcast %mul3A_65 : f32 to vector<1x128xf32>
    %mul3A_67 = arith.mulf %convert_element_type3A_62, %mul3A_66 : vector<1x128xf32>
    %add3A_68 = arith.addf %broadcast_in_dim3A_58, %mul3A_67 : vector<1x128xf32>
    %mul3A_69 = arith.constant 0.000000e+00 : f32
    %mul3A_70 = vector.broadcast %mul3A_69 : f32 to vector<1x128xf32>
    %mul3A_71 = arith.mulf %convert_element_type3A_62, %mul3A_70 : vector<1x128xf32>
    %add3A_72 = arith.addf %broadcast_in_dim3A_58, %mul3A_71 : vector<1x128xf32>
    %mul3A_73 = arith.constant 0.000000e+00 : f32
    %mul3A_74 = vector.broadcast %mul3A_73 : f32 to vector<1x128xf32>
    %mul3A_75 = arith.mulf %convert_element_type3A_62, %mul3A_74 : vector<1x128xf32>
    %add3A_76 = arith.addf %broadcast_in_dim3A_58, %mul3A_75 : vector<1x128xf32>
    %eq3A_77 = arith.constant 1 : i32
    %eq3A_78 = vector.broadcast %eq3A_77 : i32 to vector<1x128xi32>
    %eq3A_79 = arith.cmpi eq, %broadcast_in_dim3A_56, %eq3A_78 : vector<1x128xi32>
    %convert_element_type3A_80 = arith.extui %eq3A_79 : vector<1x128xi1> to vector<1x128xi32>
    %convert_element_type3A_81 = arith.sitofp %convert_element_type3A_80 : vector<1x128xi32> to vector<1x128xf32>
    %mul3A_82 = arith.constant 0.000000e+00 : f32
    %mul3A_83 = vector.broadcast %mul3A_82 : f32 to vector<1x128xf32>
    %mul3A_84 = arith.mulf %convert_element_type3A_81, %mul3A_83 : vector<1x128xf32>
    %add3A_85 = arith.addf %add3A, %mul3A_84 : vector<1x128xf32>
    %mul3A_86 = arith.constant 0.000000e+00 : f32
    %mul3A_87 = vector.broadcast %mul3A_86 : f32 to vector<1x128xf32>
    %mul3A_88 = arith.mulf %convert_element_type3A_81, %mul3A_87 : vector<1x128xf32>
    %add3A_89 = arith.addf %add3A_68, %mul3A_88 : vector<1x128xf32>
    %mul3A_90 = arith.constant 0.000000e+00 : f32
    %mul3A_91 = vector.broadcast %mul3A_90 : f32 to vector<1x128xf32>
    %mul3A_92 = arith.mulf %convert_element_type3A_81, %mul3A_91 : vector<1x128xf32>
    %add3A_93 = arith.addf %add3A_72, %mul3A_92 : vector<1x128xf32>
    %mul3A_94 = arith.constant 1.000000e+00 : f32
    %mul3A_95 = vector.broadcast %mul3A_94 : f32 to vector<1x128xf32>
    %mul3A_96 = arith.mulf %convert_element_type3A_81, %mul3A_95 : vector<1x128xf32>
    %add3A_97 = arith.addf %add3A_76, %mul3A_96 : vector<1x128xf32>
    %eq3A_98 = arith.constant 2 : i32
    %eq3A_99 = vector.broadcast %eq3A_98 : i32 to vector<1x128xi32>
    %eq3A_100 = arith.cmpi eq, %broadcast_in_dim3A_56, %eq3A_99 : vector<1x128xi32>
    %convert_element_type3A_101 = arith.extui %eq3A_100 : vector<1x128xi1> to vector<1x128xi32>
    %convert_element_type3A_102 = arith.sitofp %convert_element_type3A_101 : vector<1x128xi32> to vector<1x128xf32>
    %mul3A_103 = arith.constant 0.000000e+00 : f32
    %mul3A_104 = vector.broadcast %mul3A_103 : f32 to vector<1x128xf32>
    %mul3A_105 = arith.mulf %convert_element_type3A_102, %mul3A_104 : vector<1x128xf32>
    %add3A_106 = arith.addf %add3A_85, %mul3A_105 : vector<1x128xf32>
    %mul3A_107 = arith.constant 1.000000e+00 : f32
    %mul3A_108 = vector.broadcast %mul3A_107 : f32 to vector<1x128xf32>
    %mul3A_109 = arith.mulf %convert_element_type3A_102, %mul3A_108 : vector<1x128xf32>
    %add3A_110 = arith.addf %add3A_89, %mul3A_109 : vector<1x128xf32>
    %mul3A_111 = arith.constant 0.000000e+00 : f32
    %mul3A_112 = vector.broadcast %mul3A_111 : f32 to vector<1x128xf32>
    %mul3A_113 = arith.mulf %convert_element_type3A_102, %mul3A_112 : vector<1x128xf32>
    %add3A_114 = arith.addf %add3A_93, %mul3A_113 : vector<1x128xf32>
    %mul3A_115 = arith.constant -1.000000e+00 : f32
    %mul3A_116 = vector.broadcast %mul3A_115 : f32 to vector<1x128xf32>
    %mul3A_117 = arith.mulf %convert_element_type3A_102, %mul3A_116 : vector<1x128xf32>
    %add3A_118 = arith.addf %add3A_97, %mul3A_117 : vector<1x128xf32>
    %eq3A_119 = arith.constant 3 : i32
    %eq3A_120 = vector.broadcast %eq3A_119 : i32 to vector<1x128xi32>
    %eq3A_121 = arith.cmpi eq, %broadcast_in_dim3A_56, %eq3A_120 : vector<1x128xi32>
    %convert_element_type3A_122 = arith.extui %eq3A_121 : vector<1x128xi1> to vector<1x128xi32>
    %convert_element_type3A_123 = arith.sitofp %convert_element_type3A_122 : vector<1x128xi32> to vector<1x128xf32>
    %mul3A_124 = arith.constant 0.000000e+00 : f32
    %mul3A_125 = vector.broadcast %mul3A_124 : f32 to vector<1x128xf32>
    %mul3A_126 = arith.mulf %convert_element_type3A_123, %mul3A_125 : vector<1x128xf32>
    %add3A_127 = arith.addf %add3A_106, %mul3A_126 : vector<1x128xf32>
    %mul3A_128 = arith.constant 1.000000e+00 : f32
    %mul3A_129 = vector.broadcast %mul3A_128 : f32 to vector<1x128xf32>
    %mul3A_130 = arith.mulf %convert_element_type3A_123, %mul3A_129 : vector<1x128xf32>
    %add3A_131 = arith.addf %add3A_110, %mul3A_130 : vector<1x128xf32>
    %mul3A_132 = arith.constant 0.000000e+00 : f32
    %mul3A_133 = vector.broadcast %mul3A_132 : f32 to vector<1x128xf32>
    %mul3A_134 = arith.mulf %convert_element_type3A_123, %mul3A_133 : vector<1x128xf32>
    %add3A_135 = arith.addf %add3A_114, %mul3A_134 : vector<1x128xf32>
    %mul3A_136 = arith.constant 0.000000e+00 : f32
    %mul3A_137 = vector.broadcast %mul3A_136 : f32 to vector<1x128xf32>
    %mul3A_138 = arith.mulf %convert_element_type3A_123, %mul3A_137 : vector<1x128xf32>
    %add3A_139 = arith.addf %add3A_118, %mul3A_138 : vector<1x128xf32>
    %eq3A_140 = arith.constant 4 : i32
    %eq3A_141 = vector.broadcast %eq3A_140 : i32 to vector<1x128xi32>
    %eq3A_142 = arith.cmpi eq, %broadcast_in_dim3A_56, %eq3A_141 : vector<1x128xi32>
    %convert_element_type3A_143 = arith.extui %eq3A_142 : vector<1x128xi1> to vector<1x128xi32>
    %convert_element_type3A_144 = arith.sitofp %convert_element_type3A_143 : vector<1x128xi32> to vector<1x128xf32>
    %mul3A_145 = arith.constant 0.000000e+00 : f32
    %mul3A_146 = vector.broadcast %mul3A_145 : f32 to vector<1x128xf32>
    %mul3A_147 = arith.mulf %convert_element_type3A_144, %mul3A_146 : vector<1x128xf32>
    %add3A_148 = arith.addf %add3A_127, %mul3A_147 : vector<1x128xf32>
    %mul3A_149 = arith.constant 0.000000e+00 : f32
    %mul3A_150 = vector.broadcast %mul3A_149 : f32 to vector<1x128xf32>
    %mul3A_151 = arith.mulf %convert_element_type3A_144, %mul3A_150 : vector<1x128xf32>
    %add3A_152 = arith.addf %add3A_131, %mul3A_151 : vector<1x128xf32>
    %mul3A_153 = arith.constant 1.000000e+00 : f32
    %mul3A_154 = vector.broadcast %mul3A_153 : f32 to vector<1x128xf32>
    %mul3A_155 = arith.mulf %convert_element_type3A_144, %mul3A_154 : vector<1x128xf32>
    %add3A_156 = arith.addf %add3A_135, %mul3A_155 : vector<1x128xf32>
    %mul3A_157 = arith.constant -1.000000e+00 : f32
    %mul3A_158 = vector.broadcast %mul3A_157 : f32 to vector<1x128xf32>
    %mul3A_159 = arith.mulf %convert_element_type3A_144, %mul3A_158 : vector<1x128xf32>
    %add3A_160 = arith.addf %add3A_139, %mul3A_159 : vector<1x128xf32>
    %eq3A_161 = arith.constant 5 : i32
    %eq3A_162 = vector.broadcast %eq3A_161 : i32 to vector<1x128xi32>
    %eq3A_163 = arith.cmpi eq, %broadcast_in_dim3A_56, %eq3A_162 : vector<1x128xi32>
    %convert_element_type3A_164 = arith.extui %eq3A_163 : vector<1x128xi1> to vector<1x128xi32>
    %convert_element_type3A_165 = arith.sitofp %convert_element_type3A_164 : vector<1x128xi32> to vector<1x128xf32>
    %mul3A_166 = arith.constant 0.000000e+00 : f32
    %mul3A_167 = vector.broadcast %mul3A_166 : f32 to vector<1x128xf32>
    %mul3A_168 = arith.mulf %convert_element_type3A_165, %mul3A_167 : vector<1x128xf32>
    %add3A_169 = arith.addf %add3A_148, %mul3A_168 : vector<1x128xf32>
    %mul3A_170 = arith.constant 0.000000e+00 : f32
    %mul3A_171 = vector.broadcast %mul3A_170 : f32 to vector<1x128xf32>
    %mul3A_172 = arith.mulf %convert_element_type3A_165, %mul3A_171 : vector<1x128xf32>
    %add3A_173 = arith.addf %add3A_152, %mul3A_172 : vector<1x128xf32>
    %mul3A_174 = arith.constant 1.000000e+00 : f32
    %mul3A_175 = vector.broadcast %mul3A_174 : f32 to vector<1x128xf32>
    %mul3A_176 = arith.mulf %convert_element_type3A_165, %mul3A_175 : vector<1x128xf32>
    %add3A_177 = arith.addf %add3A_156, %mul3A_176 : vector<1x128xf32>
    %mul3A_178 = arith.constant 0.000000e+00 : f32
    %mul3A_179 = vector.broadcast %mul3A_178 : f32 to vector<1x128xf32>
    %mul3A_180 = arith.mulf %convert_element_type3A_165, %mul3A_179 : vector<1x128xf32>
    %add3A_181 = arith.addf %add3A_160, %mul3A_180 : vector<1x128xf32>
    %eq3A_182 = arith.constant 6 : i32
    %eq3A_183 = vector.broadcast %eq3A_182 : i32 to vector<1x128xi32>
    %eq3A_184 = arith.cmpi eq, %broadcast_in_dim3A_56, %eq3A_183 : vector<1x128xi32>
    %convert_element_type3A_185 = arith.extui %eq3A_184 : vector<1x128xi1> to vector<1x128xi32>
    %convert_element_type3A_186 = arith.sitofp %convert_element_type3A_185 : vector<1x128xi32> to vector<1x128xf32>
    %mul3A_187 = arith.constant 0.000000e+00 : f32
    %mul3A_188 = vector.broadcast %mul3A_187 : f32 to vector<1x128xf32>
    %mul3A_189 = arith.mulf %convert_element_type3A_186, %mul3A_188 : vector<1x128xf32>
    %add3A_190 = arith.addf %add3A_169, %mul3A_189 : vector<1x128xf32>
    %mul3A_191 = arith.constant 1.000000e+00 : f32
    %mul3A_192 = vector.broadcast %mul3A_191 : f32 to vector<1x128xf32>
    %mul3A_193 = arith.mulf %convert_element_type3A_186, %mul3A_192 : vector<1x128xf32>
    %add3A_194 = arith.addf %add3A_173, %mul3A_193 : vector<1x128xf32>
    %mul3A_195 = arith.constant 1.000000e+00 : f32
    %mul3A_196 = vector.broadcast %mul3A_195 : f32 to vector<1x128xf32>
    %mul3A_197 = arith.mulf %convert_element_type3A_186, %mul3A_196 : vector<1x128xf32>
    %add3A_198 = arith.addf %add3A_177, %mul3A_197 : vector<1x128xf32>
    %mul3A_199 = arith.constant -2.000000e+00 : f32
    %mul3A_200 = vector.broadcast %mul3A_199 : f32 to vector<1x128xf32>
    %mul3A_201 = arith.mulf %convert_element_type3A_186, %mul3A_200 : vector<1x128xf32>
    %add3A_202 = arith.addf %add3A_181, %mul3A_201 : vector<1x128xf32>
    %eq3A_203 = arith.constant 7 : i32
    %eq3A_204 = vector.broadcast %eq3A_203 : i32 to vector<1x128xi32>
    %eq3A_205 = arith.cmpi eq, %broadcast_in_dim3A_56, %eq3A_204 : vector<1x128xi32>
    %convert_element_type3A_206 = arith.extui %eq3A_205 : vector<1x128xi1> to vector<1x128xi32>
    %convert_element_type3A_207 = arith.sitofp %convert_element_type3A_206 : vector<1x128xi32> to vector<1x128xf32>
    %mul3A_208 = arith.constant 0.000000e+00 : f32
    %mul3A_209 = vector.broadcast %mul3A_208 : f32 to vector<1x128xf32>
    %mul3A_210 = arith.mulf %convert_element_type3A_207, %mul3A_209 : vector<1x128xf32>
    %add3A_211 = arith.addf %add3A_190, %mul3A_210 : vector<1x128xf32>
    %mul3A_212 = arith.constant 1.000000e+00 : f32
    %mul3A_213 = vector.broadcast %mul3A_212 : f32 to vector<1x128xf32>
    %mul3A_214 = arith.mulf %convert_element_type3A_207, %mul3A_213 : vector<1x128xf32>
    %add3A_215 = arith.addf %add3A_194, %mul3A_214 : vector<1x128xf32>
    %mul3A_216 = arith.constant 1.000000e+00 : f32
    %mul3A_217 = vector.broadcast %mul3A_216 : f32 to vector<1x128xf32>
    %mul3A_218 = arith.mulf %convert_element_type3A_207, %mul3A_217 : vector<1x128xf32>
    %add3A_219 = arith.addf %add3A_198, %mul3A_218 : vector<1x128xf32>
    %mul3A_220 = arith.constant -1.000000e+00 : f32
    %mul3A_221 = vector.broadcast %mul3A_220 : f32 to vector<1x128xf32>
    %mul3A_222 = arith.mulf %convert_element_type3A_207, %mul3A_221 : vector<1x128xf32>
    %add3A_223 = arith.addf %add3A_202, %mul3A_222 : vector<1x128xf32>
    %eq3A_224 = arith.constant 8 : i32
    %eq3A_225 = vector.broadcast %eq3A_224 : i32 to vector<1x128xi32>
    %eq3A_226 = arith.cmpi eq, %broadcast_in_dim3A_56, %eq3A_225 : vector<1x128xi32>
    %convert_element_type3A_227 = arith.extui %eq3A_226 : vector<1x128xi1> to vector<1x128xi32>
    %convert_element_type3A_228 = arith.sitofp %convert_element_type3A_227 : vector<1x128xi32> to vector<1x128xf32>
    %mul3A_229 = arith.constant 1.000000e+00 : f32
    %mul3A_230 = vector.broadcast %mul3A_229 : f32 to vector<1x128xf32>
    %mul3A_231 = arith.mulf %convert_element_type3A_228, %mul3A_230 : vector<1x128xf32>
    %add3A_232 = arith.addf %add3A_211, %mul3A_231 : vector<1x128xf32>
    %mul3A_233 = arith.constant -1.000000e+00 : f32
    %mul3A_234 = vector.broadcast %mul3A_233 : f32 to vector<1x128xf32>
    %mul3A_235 = arith.mulf %convert_element_type3A_228, %mul3A_234 : vector<1x128xf32>
    %add3A_236 = arith.addf %add3A_215, %mul3A_235 : vector<1x128xf32>
    %mul3A_237 = arith.constant -1.000000e+00 : f32
    %mul3A_238 = vector.broadcast %mul3A_237 : f32 to vector<1x128xf32>
    %mul3A_239 = arith.mulf %convert_element_type3A_228, %mul3A_238 : vector<1x128xf32>
    %add3A_240 = arith.addf %add3A_219, %mul3A_239 : vector<1x128xf32>
    %mul3A_241 = arith.constant 1.000000e+00 : f32
    %mul3A_242 = vector.broadcast %mul3A_241 : f32 to vector<1x128xf32>
    %mul3A_243 = arith.mulf %convert_element_type3A_228, %mul3A_242 : vector<1x128xf32>
    %add3A_244 = arith.addf %add3A_223, %mul3A_243 : vector<1x128xf32>
    %eq3A_245 = arith.constant 9 : i32
    %eq3A_246 = vector.broadcast %eq3A_245 : i32 to vector<1x128xi32>
    %eq3A_247 = arith.cmpi eq, %broadcast_in_dim3A_56, %eq3A_246 : vector<1x128xi32>
    %convert_element_type3A_248 = arith.extui %eq3A_247 : vector<1x128xi1> to vector<1x128xi32>
    %convert_element_type3A_249 = arith.sitofp %convert_element_type3A_248 : vector<1x128xi32> to vector<1x128xf32>
    %mul3A_250 = arith.constant 1.000000e+00 : f32
    %mul3A_251 = vector.broadcast %mul3A_250 : f32 to vector<1x128xf32>
    %mul3A_252 = arith.mulf %convert_element_type3A_249, %mul3A_251 : vector<1x128xf32>
    %add3A_253 = arith.addf %add3A_232, %mul3A_252 : vector<1x128xf32>
    %mul3A_254 = arith.constant -1.000000e+00 : f32
    %mul3A_255 = vector.broadcast %mul3A_254 : f32 to vector<1x128xf32>
    %mul3A_256 = arith.mulf %convert_element_type3A_249, %mul3A_255 : vector<1x128xf32>
    %add3A_257 = arith.addf %add3A_236, %mul3A_256 : vector<1x128xf32>
    %mul3A_258 = arith.constant -1.000000e+00 : f32
    %mul3A_259 = vector.broadcast %mul3A_258 : f32 to vector<1x128xf32>
    %mul3A_260 = arith.mulf %convert_element_type3A_249, %mul3A_259 : vector<1x128xf32>
    %add3A_261 = arith.addf %add3A_240, %mul3A_260 : vector<1x128xf32>
    %mul3A_262 = arith.constant 2.000000e+00 : f32
    %mul3A_263 = vector.broadcast %mul3A_262 : f32 to vector<1x128xf32>
    %mul3A_264 = arith.mulf %convert_element_type3A_249, %mul3A_263 : vector<1x128xf32>
    %add3A_265 = arith.addf %add3A_244, %mul3A_264 : vector<1x128xf32>
    %eq3A_266 = arith.constant 10 : i32
    %eq3A_267 = vector.broadcast %eq3A_266 : i32 to vector<1x128xi32>
    %eq3A_268 = arith.cmpi eq, %broadcast_in_dim3A_56, %eq3A_267 : vector<1x128xi32>
    %convert_element_type3A_269 = arith.extui %eq3A_268 : vector<1x128xi1> to vector<1x128xi32>
    %convert_element_type3A_270 = arith.sitofp %convert_element_type3A_269 : vector<1x128xi32> to vector<1x128xf32>
    %mul3A_271 = arith.constant 1.000000e+00 : f32
    %mul3A_272 = vector.broadcast %mul3A_271 : f32 to vector<1x128xf32>
    %mul3A_273 = arith.mulf %convert_element_type3A_270, %mul3A_272 : vector<1x128xf32>
    %add3A_274 = arith.addf %add3A_253, %mul3A_273 : vector<1x128xf32>
    %mul3A_275 = arith.constant 0.000000e+00 : f32
    %mul3A_276 = vector.broadcast %mul3A_275 : f32 to vector<1x128xf32>
    %mul3A_277 = arith.mulf %convert_element_type3A_270, %mul3A_276 : vector<1x128xf32>
    %add3A_278 = arith.addf %add3A_257, %mul3A_277 : vector<1x128xf32>
    %mul3A_279 = arith.constant -1.000000e+00 : f32
    %mul3A_280 = vector.broadcast %mul3A_279 : f32 to vector<1x128xf32>
    %mul3A_281 = arith.mulf %convert_element_type3A_270, %mul3A_280 : vector<1x128xf32>
    %add3A_282 = arith.addf %add3A_261, %mul3A_281 : vector<1x128xf32>
    %mul3A_283 = arith.constant 0.000000e+00 : f32
    %mul3A_284 = vector.broadcast %mul3A_283 : f32 to vector<1x128xf32>
    %mul3A_285 = arith.mulf %convert_element_type3A_270, %mul3A_284 : vector<1x128xf32>
    %add3A_286 = arith.addf %add3A_265, %mul3A_285 : vector<1x128xf32>
    %eq3A_287 = arith.constant 11 : i32
    %eq3A_288 = vector.broadcast %eq3A_287 : i32 to vector<1x128xi32>
    %eq3A_289 = arith.cmpi eq, %broadcast_in_dim3A_56, %eq3A_288 : vector<1x128xi32>
    %convert_element_type3A_290 = arith.extui %eq3A_289 : vector<1x128xi1> to vector<1x128xi32>
    %convert_element_type3A_291 = arith.sitofp %convert_element_type3A_290 : vector<1x128xi32> to vector<1x128xf32>
    %mul3A_292 = arith.constant 1.000000e+00 : f32
    %mul3A_293 = vector.broadcast %mul3A_292 : f32 to vector<1x128xf32>
    %mul3A_294 = arith.mulf %convert_element_type3A_291, %mul3A_293 : vector<1x128xf32>
    %add3A_295 = arith.addf %add3A_274, %mul3A_294 : vector<1x128xf32>
    %mul3A_296 = arith.constant 0.000000e+00 : f32
    %mul3A_297 = vector.broadcast %mul3A_296 : f32 to vector<1x128xf32>
    %mul3A_298 = arith.mulf %convert_element_type3A_291, %mul3A_297 : vector<1x128xf32>
    %add3A_299 = arith.addf %add3A_278, %mul3A_298 : vector<1x128xf32>
    %mul3A_300 = arith.constant -1.000000e+00 : f32
    %mul3A_301 = vector.broadcast %mul3A_300 : f32 to vector<1x128xf32>
    %mul3A_302 = arith.mulf %convert_element_type3A_291, %mul3A_301 : vector<1x128xf32>
    %add3A_303 = arith.addf %add3A_282, %mul3A_302 : vector<1x128xf32>
    %mul3A_304 = arith.constant 1.000000e+00 : f32
    %mul3A_305 = vector.broadcast %mul3A_304 : f32 to vector<1x128xf32>
    %mul3A_306 = arith.mulf %convert_element_type3A_291, %mul3A_305 : vector<1x128xf32>
    %add3A_307 = arith.addf %add3A_286, %mul3A_306 : vector<1x128xf32>
    %eq3A_308 = arith.constant 12 : i32
    %eq3A_309 = vector.broadcast %eq3A_308 : i32 to vector<1x128xi32>
    %eq3A_310 = arith.cmpi eq, %broadcast_in_dim3A_56, %eq3A_309 : vector<1x128xi32>
    %convert_element_type3A_311 = arith.extui %eq3A_310 : vector<1x128xi1> to vector<1x128xi32>
    %convert_element_type3A_312 = arith.sitofp %convert_element_type3A_311 : vector<1x128xi32> to vector<1x128xf32>
    %mul3A_313 = arith.constant 1.000000e+00 : f32
    %mul3A_314 = vector.broadcast %mul3A_313 : f32 to vector<1x128xf32>
    %mul3A_315 = arith.mulf %convert_element_type3A_312, %mul3A_314 : vector<1x128xf32>
    %add3A_316 = arith.addf %add3A_295, %mul3A_315 : vector<1x128xf32>
    %mul3A_317 = arith.constant -1.000000e+00 : f32
    %mul3A_318 = vector.broadcast %mul3A_317 : f32 to vector<1x128xf32>
    %mul3A_319 = arith.mulf %convert_element_type3A_312, %mul3A_318 : vector<1x128xf32>
    %add3A_320 = arith.addf %add3A_299, %mul3A_319 : vector<1x128xf32>
    %mul3A_321 = arith.constant 0.000000e+00 : f32
    %mul3A_322 = vector.broadcast %mul3A_321 : f32 to vector<1x128xf32>
    %mul3A_323 = arith.mulf %convert_element_type3A_312, %mul3A_322 : vector<1x128xf32>
    %add3A_324 = arith.addf %add3A_303, %mul3A_323 : vector<1x128xf32>
    %mul3A_325 = arith.constant 0.000000e+00 : f32
    %mul3A_326 = vector.broadcast %mul3A_325 : f32 to vector<1x128xf32>
    %mul3A_327 = arith.mulf %convert_element_type3A_312, %mul3A_326 : vector<1x128xf32>
    %add3A_328 = arith.addf %add3A_307, %mul3A_327 : vector<1x128xf32>
    %eq3A_329 = arith.constant 13 : i32
    %eq3A_330 = vector.broadcast %eq3A_329 : i32 to vector<1x128xi32>
    %eq3A_331 = arith.cmpi eq, %broadcast_in_dim3A_56, %eq3A_330 : vector<1x128xi32>
    %convert_element_type3A_332 = arith.extui %eq3A_331 : vector<1x128xi1> to vector<1x128xi32>
    %convert_element_type3A_333 = arith.sitofp %convert_element_type3A_332 : vector<1x128xi32> to vector<1x128xf32>
    %mul3A_334 = arith.constant 1.000000e+00 : f32
    %mul3A_335 = vector.broadcast %mul3A_334 : f32 to vector<1x128xf32>
    %mul3A_336 = arith.mulf %convert_element_type3A_333, %mul3A_335 : vector<1x128xf32>
    %add3A_337 = arith.addf %add3A_316, %mul3A_336 : vector<1x128xf32>
    %mul3A_338 = arith.constant -1.000000e+00 : f32
    %mul3A_339 = vector.broadcast %mul3A_338 : f32 to vector<1x128xf32>
    %mul3A_340 = arith.mulf %convert_element_type3A_333, %mul3A_339 : vector<1x128xf32>
    %add3A_341 = arith.addf %add3A_320, %mul3A_340 : vector<1x128xf32>
    %mul3A_342 = arith.constant 0.000000e+00 : f32
    %mul3A_343 = vector.broadcast %mul3A_342 : f32 to vector<1x128xf32>
    %mul3A_344 = arith.mulf %convert_element_type3A_333, %mul3A_343 : vector<1x128xf32>
    %add3A_345 = arith.addf %add3A_324, %mul3A_344 : vector<1x128xf32>
    %mul3A_346 = arith.constant 1.000000e+00 : f32
    %mul3A_347 = vector.broadcast %mul3A_346 : f32 to vector<1x128xf32>
    %mul3A_348 = arith.mulf %convert_element_type3A_333, %mul3A_347 : vector<1x128xf32>
    %add3A_349 = arith.addf %add3A_328, %mul3A_348 : vector<1x128xf32>
    %eq3A_350 = arith.constant 14 : i32
    %eq3A_351 = vector.broadcast %eq3A_350 : i32 to vector<1x128xi32>
    %eq3A_352 = arith.cmpi eq, %broadcast_in_dim3A_56, %eq3A_351 : vector<1x128xi32>
    %convert_element_type3A_353 = arith.extui %eq3A_352 : vector<1x128xi1> to vector<1x128xi32>
    %convert_element_type3A_354 = arith.sitofp %convert_element_type3A_353 : vector<1x128xi32> to vector<1x128xf32>
    %mul3A_355 = arith.constant 1.000000e+00 : f32
    %mul3A_356 = vector.broadcast %mul3A_355 : f32 to vector<1x128xf32>
    %mul3A_357 = arith.mulf %convert_element_type3A_354, %mul3A_356 : vector<1x128xf32>
    %add3A_358 = arith.addf %add3A_337, %mul3A_357 : vector<1x128xf32>
    %mul3A_359 = arith.constant 0.000000e+00 : f32
    %mul3A_360 = vector.broadcast %mul3A_359 : f32 to vector<1x128xf32>
    %mul3A_361 = arith.mulf %convert_element_type3A_354, %mul3A_360 : vector<1x128xf32>
    %add3A_362 = arith.addf %add3A_341, %mul3A_361 : vector<1x128xf32>
    %mul3A_363 = arith.constant 0.000000e+00 : f32
    %mul3A_364 = vector.broadcast %mul3A_363 : f32 to vector<1x128xf32>
    %mul3A_365 = arith.mulf %convert_element_type3A_354, %mul3A_364 : vector<1x128xf32>
    %add3A_366 = arith.addf %add3A_345, %mul3A_365 : vector<1x128xf32>
    %mul3A_367 = arith.constant -1.000000e+00 : f32
    %mul3A_368 = vector.broadcast %mul3A_367 : f32 to vector<1x128xf32>
    %mul3A_369 = arith.mulf %convert_element_type3A_354, %mul3A_368 : vector<1x128xf32>
    %add3A_370 = arith.addf %add3A_349, %mul3A_369 : vector<1x128xf32>
    %eq3A_371 = arith.constant 15 : i32
    %eq3A_372 = vector.broadcast %eq3A_371 : i32 to vector<1x128xi32>
    %eq3A_373 = arith.cmpi eq, %broadcast_in_dim3A_56, %eq3A_372 : vector<1x128xi32>
    %convert_element_type3A_374 = arith.extui %eq3A_373 : vector<1x128xi1> to vector<1x128xi32>
    %convert_element_type3A_375 = arith.sitofp %convert_element_type3A_374 : vector<1x128xi32> to vector<1x128xf32>
    %mul3A_376 = arith.constant 1.000000e+00 : f32
    %mul3A_377 = vector.broadcast %mul3A_376 : f32 to vector<1x128xf32>
    %mul3A_378 = arith.mulf %convert_element_type3A_375, %mul3A_377 : vector<1x128xf32>
    %add3A_379 = arith.addf %add3A_358, %mul3A_378 : vector<1x128xf32>
    %mul3A_380 = arith.constant 0.000000e+00 : f32
    %mul3A_381 = vector.broadcast %mul3A_380 : f32 to vector<1x128xf32>
    %mul3A_382 = arith.mulf %convert_element_type3A_375, %mul3A_381 : vector<1x128xf32>
    %add3A_383 = arith.addf %add3A_362, %mul3A_382 : vector<1x128xf32>
    %mul3A_384 = arith.constant 0.000000e+00 : f32
    %mul3A_385 = vector.broadcast %mul3A_384 : f32 to vector<1x128xf32>
    %mul3A_386 = arith.mulf %convert_element_type3A_375, %mul3A_385 : vector<1x128xf32>
    %add3A_387 = arith.addf %add3A_366, %mul3A_386 : vector<1x128xf32>
    %mul3A_388 = arith.constant 0.000000e+00 : f32
    %mul3A_389 = vector.broadcast %mul3A_388 : f32 to vector<1x128xf32>
    %mul3A_390 = arith.mulf %convert_element_type3A_375, %mul3A_389 : vector<1x128xf32>
    %add3A_391 = arith.addf %add3A_370, %mul3A_390 : vector<1x128xf32>
    %broadcast_in_dim3A_392 = arith.constant 0.000000e+00 : f32
    %broadcast_in_dim3A_393 = vector.broadcast %broadcast_in_dim3A_392 : f32 to vector<4x128xf32>
    %concatenate3A_394 = tpu.concatenate %add3A_379, %add3A_383, %add3A_387, %add3A_391, %broadcast_in_dim3A_393 in 0 : vector<1x128xf32>, vector<1x128xf32>, vector<1x128xf32>, vector<1x128xf32>, vector<4x128xf32> -> vector<8x128xf32>
    %swap3A_395 = arith.constant 0 : index
    %swap3A_396 = arith.constant 0 : index
    %swap3A_397 = vector.load %arg7[%swap3A_395, %swap3A_396] : memref<8x128xf32, #tpu.memory_space<vmem>>, vector<8x128xf32>
    tpu.vector_store %arg7[%swap3A_395, %swap3A_396], %concatenate3A_394 {strides = array<i32>} : memref<8x128xf32, #tpu.memory_space<vmem>>, vector<8x128xf32>,
    return
  }
  func.func @transform_0(%arg0: i32) -> (i32, i32) {
    %c0_i32 = arith.constant 0 : i32
    %c0_i32_0 = arith.constant 0 : i32
    return %arg0, %c0_i32 : i32, i32
  }
  func.func @transform_1(%arg0: i32) -> (i32, i32) {
    %c0_i32 = arith.constant 0 : i32
    %c0_i32_0 = arith.constant 0 : i32
    return %arg0, %c0_i32 : i32, i32
  }
  func.func @transform_2(%arg0: i32) -> (i32, i32) {
    %c0_i32 = arith.constant 0 : i32
    %c0_i32_0 = arith.constant 0 : i32
    return %arg0, %c0_i32 : i32, i32
  }
  func.func @transform_3(%arg0: i32) -> (i32, i32) {
    %c0_i32 = arith.constant 0 : i32
    %c0_i32_0 = arith.constant 0 : i32
    return %arg0, %c0_i32 : i32, i32
  }
  func.func @transform_4(%arg0: i32) -> (i32, i32) {
    %c0_i32 = arith.constant 0 : i32
    %c0_i32_0 = arith.constant 0 : i32
    return %arg0, %c0_i32 : i32, i32
  }
  func.func @transform_5(%arg0: i32) -> (i32, i32) {
    %c0_i32 = arith.constant 0 : i32
    %c0_i32_0 = arith.constant 0 : i32
    return %c0_i32, %arg0 : i32, i32
  }
  func.func @transform_6(%arg0: i32) -> (i32, i32) {
    %c0_i32 = arith.constant 0 : i32
    %c0_i32_0 = arith.constant 0 : i32
    return %c0_i32, %arg0 : i32, i32
  }
}

module attributes {stable_mosaic.version = 14 : i64} {
  func.func @_gate_body(%arg0: i32, %arg1: i32, %arg2: memref<512x1024xi32, #tpu.memory_space<vmem>>, %arg3: memref<512x1024xi32, #tpu.memory_space<vmem>>, %arg4: memref<8x512xf32, #tpu.memory_space<vmem>>, %arg5: memref<2048x512xf32, #tpu.memory_space<vmem>>) attributes {dimension_semantics = [#tpu.dimension_semantics<parallel>, #tpu.dimension_semantics<parallel>], iteration_bounds = array<i64: 4, 4>, scalar_prefetch = 0 : i64, scratch_operands = 0 : i64, tpu.core_type = #tpu.core_type<tc>, window_params = [{transform_indices = @transform_0, window_bounds = array<i64: 512, 1024>}, {transform_indices = @transform_1, window_bounds = array<i64: 512, 1024>}, {transform_indices = @transform_2, window_bounds = array<i64: 8, 512>}, {transform_indices = @transform_3, window_bounds = array<i64: 2048, 512>}]} {
    %get3A = arith.constant 0 : index
    %get3A_0 = arith.constant 0 : index
    %get3A_1 = vector.load %arg2[%get3A, %get3A_0] : memref<512x1024xi32, #tpu.memory_space<vmem>>, vector<512x1024xi32>
    %transpose3A = tpu.transpose %get3A_1, [1, 0] : vector<512x1024xi32> -> vector<1024x512xi32>
    %get3A_2 = arith.constant 0 : index
    %get3A_3 = arith.constant 0 : index
    %get3A_4 = vector.load %arg3[%get3A_2, %get3A_3] : memref<512x1024xi32, #tpu.memory_space<vmem>>, vector<512x1024xi32>
    %transpose3A_5 = tpu.transpose %get3A_4, [1, 0] : vector<512x1024xi32> -> vector<1024x512xi32>
    %shift_left3A = arith.constant 16 : i32
    %shift_left3A_6 = vector.broadcast %shift_left3A : i32 to vector<1024x512xi32>
    %shift_left3A_7 = arith.shli %transpose3A, %shift_left3A_6 : vector<1024x512xi32>
    %bitcast_convert_type3A = tpu.bitcast %shift_left3A_7 : vector<1024x512xi32> -> vector<1024x512xf32>
    %and3A = arith.constant -65536 : i32
    %and3A_8 = vector.broadcast %and3A : i32 to vector<1024x512xi32>
    %and3A_9 = arith.andi %transpose3A, %and3A_8 : vector<1024x512xi32>
    %bitcast_convert_type3A_10 = tpu.bitcast %and3A_9 : vector<1024x512xi32> -> vector<1024x512xf32>
    %shift_left3A_11 = arith.constant 16 : i32
    %shift_left3A_12 = vector.broadcast %shift_left3A_11 : i32 to vector<1024x512xi32>
    %shift_left3A_13 = arith.shli %transpose3A_5, %shift_left3A_12 : vector<1024x512xi32>
    %bitcast_convert_type3A_14 = tpu.bitcast %shift_left3A_13 : vector<1024x512xi32> -> vector<1024x512xf32>
    %and3A_15 = arith.constant -65536 : i32
    %and3A_16 = vector.broadcast %and3A_15 : i32 to vector<1024x512xi32>
    %and3A_17 = arith.andi %transpose3A_5, %and3A_16 : vector<1024x512xi32>
    %bitcast_convert_type3A_18 = tpu.bitcast %and3A_17 : vector<1024x512xi32> -> vector<1024x512xf32>
    %get3A_19 = arith.constant 0 : index
    %get3A_20 = arith.constant 0 : index
    %get3A_21 = vector.load %arg4[%get3A_19, %get3A_20] : memref<8x512xf32, #tpu.memory_space<vmem>>, vector<1x512xf32>
    %get3A_22 = vector.shape_cast %get3A_21 : vector<1x512xf32> to vector<512xf32>
    %broadcast_in_dim3A = vector.shape_cast %get3A_22 : vector<512xf32> to vector<1x512xf32>
    %get3A_23 = arith.constant 1 : index
    %get3A_24 = arith.constant 0 : index
    %get3A_25 = vector.load %arg4[%get3A_23, %get3A_24] : memref<8x512xf32, #tpu.memory_space<vmem>>, vector<1x512xf32>
    %get3A_26 = vector.shape_cast %get3A_25 : vector<1x512xf32> to vector<512xf32>
    %broadcast_in_dim3A_27 = vector.shape_cast %get3A_26 : vector<512xf32> to vector<1x512xf32>
    %get3A_28 = arith.constant 2 : index
    %get3A_29 = arith.constant 0 : index
    %get3A_30 = vector.load %arg4[%get3A_28, %get3A_29] : memref<8x512xf32, #tpu.memory_space<vmem>>, vector<1x512xf32>
    %get3A_31 = vector.shape_cast %get3A_30 : vector<1x512xf32> to vector<512xf32>
    %broadcast_in_dim3A_32 = vector.shape_cast %get3A_31 : vector<512xf32> to vector<1x512xf32>
    %get3A_33 = arith.constant 3 : index
    %get3A_34 = arith.constant 0 : index
    %get3A_35 = vector.load %arg4[%get3A_33, %get3A_34] : memref<8x512xf32, #tpu.memory_space<vmem>>, vector<1x512xf32>
    %get3A_36 = vector.shape_cast %get3A_35 : vector<1x512xf32> to vector<512xf32>
    %broadcast_in_dim3A_37 = vector.shape_cast %get3A_36 : vector<512xf32> to vector<1x512xf32>
    %mul3A = vector.broadcast %broadcast_in_dim3A_27 : vector<1x512xf32> to vector<1024x512xf32>
    %mul3A_38 = arith.mulf %mul3A, %bitcast_convert_type3A : vector<1024x512xf32>
    %add3A = vector.broadcast %broadcast_in_dim3A : vector<1x512xf32> to vector<1024x512xf32>
    %add3A_39 = arith.addf %add3A, %mul3A_38 : vector<1024x512xf32>
    %mul3A_40 = vector.broadcast %broadcast_in_dim3A_32 : vector<1x512xf32> to vector<1024x512xf32>
    %mul3A_41 = arith.mulf %mul3A_40, %bitcast_convert_type3A_14 : vector<1024x512xf32>
    %add3A_42 = arith.addf %add3A_39, %mul3A_41 : vector<1024x512xf32>
    %mul3A_43 = arith.mulf %bitcast_convert_type3A, %bitcast_convert_type3A_14 : vector<1024x512xf32>
    %mul3A_44 = vector.broadcast %broadcast_in_dim3A_37 : vector<1x512xf32> to vector<1024x512xf32>
    %mul3A_45 = arith.mulf %mul3A_44, %mul3A_43 : vector<1024x512xf32>
    %add3A_46 = arith.addf %add3A_42, %mul3A_45 : vector<1024x512xf32>
    %swap3A = arith.constant 0 : index
    %swap3A_47 = arith.constant 0 : index
    %swap3A_48 = vector.load %arg5[%swap3A, %swap3A_47] : memref<2048x512xf32, #tpu.memory_space<vmem>>, vector<1024x512xf32>
    tpu.vector_store %arg5[%swap3A, %swap3A_47], %add3A_46 {strides = array<i32>} : memref<2048x512xf32, #tpu.memory_space<vmem>>, vector<1024x512xf32>,
    %mul3A_49 = vector.broadcast %broadcast_in_dim3A_27 : vector<1x512xf32> to vector<1024x512xf32>
    %mul3A_50 = arith.mulf %mul3A_49, %bitcast_convert_type3A_10 : vector<1024x512xf32>
    %add3A_51 = vector.broadcast %broadcast_in_dim3A : vector<1x512xf32> to vector<1024x512xf32>
    %add3A_52 = arith.addf %add3A_51, %mul3A_50 : vector<1024x512xf32>
    %mul3A_53 = vector.broadcast %broadcast_in_dim3A_32 : vector<1x512xf32> to vector<1024x512xf32>
    %mul3A_54 = arith.mulf %mul3A_53, %bitcast_convert_type3A_18 : vector<1024x512xf32>
    %add3A_55 = arith.addf %add3A_52, %mul3A_54 : vector<1024x512xf32>
    %mul3A_56 = arith.mulf %bitcast_convert_type3A_10, %bitcast_convert_type3A_18 : vector<1024x512xf32>
    %mul3A_57 = vector.broadcast %broadcast_in_dim3A_37 : vector<1x512xf32> to vector<1024x512xf32>
    %mul3A_58 = arith.mulf %mul3A_57, %mul3A_56 : vector<1024x512xf32>
    %add3A_59 = arith.addf %add3A_55, %mul3A_58 : vector<1024x512xf32>
    %swap3A_60 = arith.constant 1024 : index
    %swap3A_61 = arith.constant 0 : index
    %swap3A_62 = vector.load %arg5[%swap3A_60, %swap3A_61] : memref<2048x512xf32, #tpu.memory_space<vmem>>, vector<1024x512xf32>
    tpu.vector_store %arg5[%swap3A_60, %swap3A_61], %add3A_59 {strides = array<i32>} : memref<2048x512xf32, #tpu.memory_space<vmem>>, vector<1024x512xf32>,
    return
  }
  func.func @transform_0(%arg0: i32, %arg1: i32) -> (i32, i32) {
    %c0_i32 = arith.constant 0 : i32
    return %arg0, %arg1 : i32, i32
  }
  func.func @transform_1(%arg0: i32, %arg1: i32) -> (i32, i32) {
    %add3A = arith.constant 4 : i32
    %add3A_0 = arith.addi %arg0, %add3A : i32
    %c0_i32 = arith.constant 0 : i32
    return %add3A_0, %arg1 : i32, i32
  }
  func.func @transform_2(%arg0: i32, %arg1: i32) -> (i32, i32) {
    %c0_i32 = arith.constant 0 : i32
    %c0_i32_0 = arith.constant 0 : i32
    return %c0_i32, %arg0 : i32, i32
  }
  func.func @transform_3(%arg0: i32, %arg1: i32) -> (i32, i32) {
    %c0_i32 = arith.constant 0 : i32
    return %arg1, %arg0 : i32, i32
  }
}

</mosaic_0001>

<sc_bundles>
// kernel: kernel.6.cloned.1.call-start
scs
__scs_entry_jumppad:
0x0: {  	(pc) =	sbr.rel $0x88, $3  }
0x1: {  	(tag) =	ssettag $0x0;
	lr =	simm.s32 $0x1  }
0x2: {  	[smem:$0x3F9B] =	sst lr;
	_ =	strace $0xD0000000  }
0x3: {  	_ = 	snop  }
0x4: {  	_ = 	snop  }
0x5: {  	_ = 	snop  }
0x6: {  	_ = 	snop  }
0x7: {  	_ = 	snop  }
__scs_overlays_trampoline_lowered:
0x8: {  	[smem:$0x3FAA] =	sst s0  }
0x9: {  	[smem:$0x3FAB] =	sst s1  }
0xa: {  	[smem:$0x3FAC] =	sst s2  }
0xb: {  	[smem:$0x3FAD] =	sst s3  }
0xc: {  	[smem:$0x3FAE] =	sst s4  }
0xd: {  	[smem:$0x3FAF] =	sst s5  }
0xe: {  	[smem:$0x3FB0] =	sst s6  }
0xf: {  	[smem:$0x3FB1] =	sst s7  }
0x10: {  	[smem:$0x3FB2] =	sst s8  }
0x11: {  	[smem:$0x3FB3] =	sst s9;
	s0 =	simm.s32 @!p0 $0x0  }
0x12: {  	s1 =	sld [smem:$0x3F99];
	s0 =	simm.s32 @p0 $0x1  }
0x13: {  	[smem:$0x3FB4] =	sst s0;
	s0 =	simm.s32 @!p1 $0x0  }
0x14: {  	s2 =	sld [smem:$0x3F98];
	s0 =	simm.s32 @p1 $0x1  }
0x15: {  	[smem:$0x3FB5] =	sst s0;
	s0 =	simm.s32 @!p2 $0x0  }
0x16: {  	s3 =	sld [smem:$0x3FDB];
	s0 =	simm.s32 @p2 $0x1  }
0x17: {  	s4 =	simm.s32 $0x1BF5;
	[smem:$0x3FB7] =	sst s0  }
0x18: {  	s0 =	sld [smem:$0x3F9A];
	_ =	swait.ge [sflag:s4], $0x0  }
0x19: {  	s7 =	sld [smem:$0x3F9B]  }
0x1a: {  	s8 =	sadd.s32 $0xFFFFE003, lr  }
0x1b: {  	s9 =	sadd.s32 $0xFFFFFEF7, lr;
	s5 =	simm.s32 $0xFFFFFFFF;
	p2 =	slt.u32 s8, $0xFFFFF086  }
0x1c: {  	p1 =	slt.u32 s9, $0xF7A;
	s5 =	simm.s32 @!p2 $0x0  }
0x1d: {  	s5 =	simm.s32 @p1 $0x1;
	p0 =	seq.s32 s7, s2  }
0x1e: {  	s7 =	smul.u32 @!p0 $0xF7A, s2;
	p2 =	seq.s32 @!p0 s5, $0x0  }
0x1f: {  	s9 =	smul.u32 $0xF7A, s1;
	s8 =	simm.s32 @!p0 $0x1BF5;
	p2 =	por !p2, p0  }
0x20: {  	[sflag:s8] =	ssyncset.s32 @!p0 $0xFFFFF086;
	s6 =	sadd.s32 @!p0 s3, s7;
	s7 =	simm.s32 @!p0 $0x108  }
0x21: {  	s3 =	sadd.s32 s3, s9;
	s6 =	sadd.s32 @!p0 $0x88, s6;
	s7 =	simm.s32 @p2 $0x1082  }
0x22: {  	[simem:s7], [sflag:s8] =	dma.local @!p0 [hbm:s6], $0xF7A  }
0x23: {  	s9 =	sor.u32 $0xD0000000, s2;
	s6 =	simm.s32 $0x108;
	_ =	swait.ge @!p0 [sflag:s8], $0x0  }
0x24: {  	s3 =	sadd.s32 $0x88, s3;
	s6 =	simm.s32 @!p1 $0x1082;
	[sflag:s4] =	ssyncset.s32 $0xFFFFF086  }
0x25: {  	[simem:s6], [sflag:s4] =	dma.local [hbm:s3], $0xF7A  }
0x26: {  	[smem:$0x3F9B] =	sst s1;
	(tag) =	ssettag s2;
	_ =	strace s9  }
0x27: {  	s1 =	sld [smem:$0x3FAB]  }
0x28: {  	s2 =	sld [smem:$0x3FAC]  }
0x29: {  	s4 =	sld [smem:$0x3FAE]  }
0x2a: {  	p0 =	seq.s32 s5, $0x0;
	s5 =	sld [smem:$0x3FAF]  }
0x2b: {  	s6 =	sld [smem:$0x3FB0]  }
0x2c: {  	s7 =	sld [smem:$0x3FB1]  }
0x2d: {  	s3 =	simm.s32 $0x108;
	s8 =	sld [smem:$0x3FB2]  }
0x2e: {  	s3 =	simm.s32 @!p0 $0x1082;
	s9 =	sld [smem:$0x3FB3]  }
0x2f: {  	lr =	sadd.s32 s0, s3;
	s0 =	sld [smem:$0x3FAA]  }
0x30: {  	s3 =	sld [smem:$0x3FAD]  }
0x31: {  	[smem:$0x3FB6] =	sst s10  }
0x32: {  	s10 =	sld [smem:$0x3FB4];
	_ =	sdelay $0x3  }
0x33: {  	p0 =	seq.s32 s10, $0x1;
	s10 =	sld [smem:$0x3FB6];
	_ =	sdelay $0x3  }
0x34: {  	[smem:$0x3FB6] =	sst s10  }
0x35: {  	s10 =	sld [smem:$0x3FB5];
	_ =	sdelay $0x3  }
0x36: {  	p1 =	seq.s32 s10, $0x1;
	s10 =	sld [smem:$0x3FB6];
	_ =	sdelay $0x3  }
0x37: {  	[smem:$0x3FB6] =	sst s10  }
0x38: {  	s10 =	sld [smem:$0x3FB7]  }
0x39: {  	_ = 	snop;
	(pc) =	sbr.ind lr, $3  }
0x3a: {  	_ = 	snop  }
0x3b: {  	_ = 	snop  }
0x3c: {  	p2 =	seq.s32 s10, $0x1;
	s10 =	sld [smem:$0x3FB6]  }
0x3d: {  	_ =	shalt  }
0x3e: {  	_ =	shalt  }
0x3f: {  	_ =	shalt  }
0x40: {  	_ =	shalt  }
0x41: {  	_ =	shalt  }
0x42: {  	_ =	shalt  }
0x43: {  	_ =	shalt  }
0x44: {  	_ =	shalt  }
0x45: {  	_ =	shalt  }
0x46: {  	_ =	shalt  }
0x47: {  	_ =	shalt  }
0x48: {  	_ =	shalt  }
0x49: {  	_ =	shalt  }
0x4a: {  	_ =	shalt  }
0x4b: {  	_ =	shalt  }
0x4c: {  	_ =	shalt  }
0x4d: {  	_ =	shalt  }
0x4e: {  	_ =	shalt  }
0x4f: {  	_ =	shalt  }
0x50: {  	_ =	shalt  }
0x51: {  	_ =	shalt  }
0x52: {  	_ =	shalt  }
0x53: {  	_ =	shalt  }
0x54: {  	_ =	shalt  }
0x55: {  	_ =	shalt  }
0x56: {  	_ =	shalt  }
0x57: {  	_ =	shalt  }
0x58: {  	_ =	shalt  }
0x59: {  	_ =	shalt  }
0x5a: {  	_ =	shalt  }
0x5b: {  	_ =	shalt  }
0x5c: {  	_ =	shalt  }
0x5d: {  	_ =	shalt  }
0x5e: {  	_ =	shalt  }
0x5f: {  	_ =	shalt  }
0x60: {  	_ =	shalt  }
0x61: {  	_ =	shalt  }
0x62: {  	_ =	shalt  }
0x63: {  	_ =	shalt  }
0x64: {  	_ =	shalt  }
0x65: {  	_ =	shalt  }
0x66: {  	_ =	shalt  }
0x67: {  	_ =	shalt  }
0x68: {  	_ =	shalt  }
0x69: {  	_ =	shalt  }
0x6a: {  	_ =	shalt  }
0x6b: {  	_ =	shalt  }
0x6c: {  	_ =	shalt  }
0x6d: {  	_ =	shalt  }
0x6e: {  	_ =	shalt  }
0x6f: {  	_ =	shalt  }
0x70: {  	_ =	shalt  }
0x71: {  	_ =	shalt  }
0x72: {  	_ =	shalt  }
0x73: {  	_ =	shalt  }
0x74: {  	_ =	shalt  }
0x75: {  	_ =	shalt  }
0x76: {  	_ =	shalt  }
0x77: {  	_ =	shalt  }
0x78: {  	_ =	shalt  }
0x79: {  	_ =	shalt  }
0x7a: {  	_ =	shalt  }
0x7b: {  	_ =	shalt  }
0x7c: {  	_ =	shalt  }
0x7d: {  	_ =	shalt  }
0x7e: {  	_ =	shalt  }
0x7f: {  	_ =	shalt  }
0x80: {  	_ =	shalt  }
0x81: {  	_ =	shalt  }
0x82: {  	_ =	shalt  }
0x83: {  	_ =	shalt  }
0x84: {  	_ =	shalt  }
0x85: {  	_ =	shalt  }
0x86: {  	_ =	shalt  }
0x87: {  	_ =	shalt  }
.Lfunc_end0:
.L_simem_size_0:
called_computation_lowered:
.L_overlay_start_0:
0x88: {  	s2 =	sld [smem:$0x3FD9]  }
0x89: {  	s3 =	sld [smem:$0x3FFE];
	_ =	sdelay $0x1  }
0x8a: {  	s1 =	srdreg.scid  }
0x8b: {  	s0 =	sand.u32 $0x1, s1  }
0x8c: {  	s17 =	sshll.u32 s0, $0xA;
	s2 =	sadd.s32 s3, s2  }
0x8d: {  	s2 =	sadd.s32 s2, s17  }
0x8e: {  	[smem:$0x3FC2] =	sst s2  }
0x8f: {  	_ = 	snop  }
0x90: {  	s2 =	sld [smem:$0x3FD0];
	(tm) =	ssettm $0x1  }
0x91: {  	s18 =	sld [smem:$0x3FFB];
	_ =	sdelay $0x3  }
0x92: {  	_ =	strace s18  }
0x93: {  	s3 =	sld [smem:$0x3FFC];
	_ =	sdelay $0x3  }
0x94: {  	_ =	strace s3  }
0x95: {  	s3 =	sld [smem:$0x3FFD];
	_ =	sdelay $0x3  }
0x96: {  	_ =	strace s3  }
0x97: {  	_ =	strace $0x8FFFFFFF  }
0x98: {  	s19 =	sld [smem:$0x3FDB];
	_ =	sdelay $0x1  }
0x99: {  	s4 =	simm.s32 $_scs_section_size  }
0x9a: {  	s5 =	simm.s32 $_size__tile_overlayer_lowered;
	s6 =	simm.s32 $_tile_overlayer_lowered  }
0x9b: {  	s22 =	simm.s32 $0x1BFF;
	s21 =	sshll.u32 s6, $0x1;
	s3 =	sadd.s32 s4, s19  }
0x9c: {  	s7 =	simm.s32 $0x0;
	s20 =	sshll.u32 s5, $0x1;
	s5 =	sadd.s32 s21, s3  }
0x9d: {  	[timem:s7], [sflag:s22] =	dma.local [hbm:s5], s20  }
0x9e: {  	_ =	swait.ge [sflag:s22], s20  }
0x9f: {  	s4 =	ssub.s32 $0x0, s20;
	[sflag:s22] =	ssyncset.done $0x0  }
0xa0: {  	[sflag:s22] =	ssyncadd.s32 s4;
	_ =	sdelay $0x1  }
0xa1: {  	s23 =	simm.s32 $0x1B8B  }
0xa2: {  	_ =	swait.ge [sflag:s23], $0x1  }
0xa3: {  	[sflag:s23] =	ssyncset.done $0x0  }
0xa4: {  	s25 =	simm.s32 $0x1B8E;
	s24 =	sld [smem:$0x3FFE];
	[sflag:s23] =	ssyncadd.s32 $0xFFFFFFFF  }
0xa5: {  	s26 =	simm.s32 $execute0_lowered;
	[smem:$0x3FD2] =	sst s25  }
0xa6: {  	s5 =	sshll.u32 s26, $0x1;
	_ =	strace $0x80000046;
	[dreg:$0x1] =	wrdreg $0xFFFFFFFF  }
0xa7: {  	s28 =	simm.s32 $_size_execute0_lowered;
	s3 =	sadd.s32 s3, s5;
	[dreg:$0x0] =	wrdreg $0x0  }
0xa8: {  	s5 =	sshll.u32 s28, $0x1;
	[dreg:$0x2] =	wrdreg s3  }
0xa9: {  	[dreg:$0x3] =	wrdreg s5  }
0xaa: {  	[dreg:$0x4] =	wrdreg $0xC0  }
0xab: {  	_ =	task [dreg:s7], $0x5FFFF  }
0xac: {  	[dreg:$0x1] =	wrdreg $0xFFFFFFFF  }
0xad: {  	[dreg:$0x0] =	wrdreg $0x60  }
0xae: {  	[dreg:$0x2] =	wrdreg s2  }
0xaf: {  	[dreg:$0x3] =	wrdreg s24  }
0xb0: {  	[dreg:$0x4] =	wrdreg $0x9  }
0xb1: {  	_ =	task.clear_ibuf [dreg:s7], $0x5FFFF;
	_ =	strace $0x90000046  }
0xb2: {  	s29 =	simm.s32 $0x9;
	_ =	strace $0x80000048  }
0xb3: {  	_ =	swait.ge [sflag:s29], $0x1  }
0xb4: {  	[sflag:s29] =	ssyncadd.s32 $0xFFFFFFFF  }
0xb5: {  	_ =	strace $0x90000048  }
0xb6: {  	_ =	sfence  }
0xb7: {  	s30 =	sld [smem:$0x0];
	_ =	sdelay $0x2  }
0xb8: {  	s31 =	sshll.u32 s1, $0xD;
	s1 =	sshrl.u32 s1, $0x2  }
0xb9: {  	s3 =	sand.u32 $0x4000, s31;
	s1 =	sadd.s32 s1, s30  }
0xba: {  	s0 =	sor.u32 s3, s0;
	s1 =	sshll.u32 s1, $0x11  }
0xbb: {  	s0 =	sor.u32 s1, s0  }
0xbc: {  	s0 =	sadd.s32 $0x8F2B, s0  }
0xbd: {  	[sflag:s0] =	ssyncadd.remote.s32 $0x1  }
0xbe: {  	_ =	sfence.sel $0xFFFF  }
0xbf: {  	[dreg:$0x0] =	wrdreg $0xFFFFFFFF;
	(pc) =	sbr.abs _section_cstart, $3  }
0xc0: {  	[dreg:$0x1] =	wrdreg $0xFFFFFFFF  }
0xc1: {  	_ =	task.clear_ibuf [dreg:s7], $0x2FFFF;
	_ =	strace $0x9FFFFFFF  }
0xc2: {  	(tm) =	ssettm $0x7FFFFFFF  }
0xc3: {  	_ =	shalt  }
tec
execute0_lowered:
.L_overlay_start_1:
0x0: {  	(tag) =	ssettag $0x1  }
0x1: {  	s0 =	srdreg.scid;
	s2 =	rddreg [dreg:$0x0]  }
0x2: {  	s3 =	stileid.u32;
	s1 =	rddreg [dreg:$0x1];
	s0 =	sand.u32 $0x1, s0  }
0x3: {  	s29 =	simm.s32 $0x2;
	s4 =	sshll.u32 s3, $0x8;
	s5 =	sshll.u32 s0, $0x7  }
0x4: {  	s19 =	simm.s32 $0x80;
	s3 =	simm.s32 $0x0;
	s4 =	sor.u32 s5, s4  }
0x5: {  	[smem:$0x7FF] =	sst s3;
	s0 =	ssub.s32 $0x2, s0;
	s5 =	sshrl.u32 s4, $0x3  }
0x6: {  	_ =	strace $0x80000047;
	s4 =	sshll.u32 s4, $0x9;
	s5 =	sadd.s32 s5, s1  }
0x7: {  	s28 =	sshrl.u32 s0, $0x1;
	s1 =	sadd.s32 s4, s1;
	s26 =	sadd.s32 $0x1400, s5  }
0x8: {  	s0 =	ssub.s32 s0, s28;
	s30 =	sadd.s32 $0x1600, s1;
	[dreg:$0x3] =	wrdreg s26  }
0x9: {  	s4 =	sadd.s32 $0x100, s2;
	s31 =	sadd.s32 $0x2600, s1;
	[dreg:$0x4] =	wrdreg s30  }
0xa: {  	s0 =	smax.u32 s0, $0x1;
	s6 =	sadd.s32 $0x3600, s1;
	[dreg:$0x5] =	wrdreg s31  }
0xb: {  	s5 =	sadd.s32 $0x200, s2;
	s7 =	sadd.s32 $0x4600, s1;
	[dreg:$0x6] =	wrdreg s6  }
0xc: {  	s8 =	sadd.s32 $0x5600, s1;
	s9 =	sadd.s32 $0x6600, s1;
	[dreg:$0x7] =	wrdreg s7  }
0xd: {  	s10 =	sadd.s32 $0x7600, s1;
	s11 =	sadd.s32 $0x8600, s1;
	[dreg:$0x8] =	wrdreg s8  }
0xe: {  	s12 =	sadd.s32 $0x9600, s1;
	s13 =	sadd.s32 $0xA600, s1;
	[dreg:$0x9] =	wrdreg s9  }
0xf: {  	s14 =	sadd.s32 $0xB600, s1;
	s15 =	sadd.s32 $0xC600, s1;
	[dreg:$0xa] =	wrdreg s10  }
0x10: {  	s16 =	sadd.s32 $0xD600, s1;
	s17 =	sadd.s32 $0xE600, s1;
	[dreg:$0xb] =	wrdreg s11  }
0x11: {  	s18 =	sadd.s32 $0xF600, s1;
	s1 =	sadd.s32 $0x10600, s1;
	[dreg:$0xc] =	wrdreg s12  }
0x12: {  	s6 =	sadd.s32 $0x300, s2;
	s7 =	sadd.s32 $0x400, s2;
	[dreg:$0xd] =	wrdreg s13  }
0x13: {  	s8 =	sadd.s32 $0x500, s2;
	s9 =	sadd.s32 $0x600, s2;
	[dreg:$0xe] =	wrdreg s14  }
0x14: {  	s10 =	sadd.s32 $0x700, s2;
	s11 =	sadd.s32 $0x800, s2;
	[dreg:$0xf] =	wrdreg s15  }
0x15: {  	s12 =	sadd.s32 $0x900, s2;
	s13 =	sadd.s32 $0xA00, s2;
	[dreg:$0x10] =	wrdreg s16  }
0x16: {  	v0 =	vlaneseq.u32;
	s14 =	sadd.s32 $0xB00, s2;
	s15 =	sadd.s32 $0xC00, s2;
	[dreg:$0x11] =	wrdreg s17  }
0x17: {  	v1 =	vshrl.u32 v0, $0x3;
	s16 =	sadd.s32 $0xD00, s2;
	s17 =	sadd.s32 $0xE00, s2;
	[dreg:$0x12] =	wrdreg s18  }
0x18: {  	vm0 =	vmmov $0xffff;
	v0 =	vand.u32 $0x7, v0;
	v1 =	vmul.u32 $0x8, v1;
	s18 =	sadd.s32 $0xF00, s2;
	[dreg:$0x13] =	wrdreg s1;
	s26 =	simm.s32 $0x1  }
.LBB2_1:
0x19: {  	[dreg:$0x14] =	wrdreg s0  }
0x1a: {  	s30 =	rddreg [dreg:$0x3];
	s1 =	simm.s32 $0x3  }
0x1b: {  	[tilespmem:s3], [sflag:$0x3] =	stream.linear.gather [hbm4b:s30+s3], $0x80, $0x38;
	[tilespmem:$0x18080] =	vst v63  }
0x1c: {  	_ =	swait.ge [sflag:s1], $0x80  }
0x1d: {  	[sflag:s1] =	ssyncset.done $0x0  }
0x1e: {  	[sflag:s1] =	ssyncadd.s32 $0xFFFFFF80  }
0x1f: {  	v2 =	vld.msk [tilespmem:$0x0], $0xff;
	_ =	sdelay $0x4  }
0x20: {  	v3 =	vshll.u32 v2, $0x5  }
0x21: {  	v2 =	vand.u32 $0x7, v2;
	v3 =	vand.u32 $0xFFFFFF00, v3  }
0x22: {  	v2 =	vor.u32 v2, v3  }
0x23: {  	v2 =	vperm.xlane v2, v0;
	_ =	sdelay $0x1  }
0x24: {  	v2 =	vadd.s32 v1, v2;
	_ =	sdelay $0x3  }
0x25: {  	s1 =	rddreg [dreg:$0x0]  }
0x26: {  	[tilespmem:s19], [sflag:$0x1] =	stream.indirect_vreg.gather [hbm4b:s1+s3], $0x80, v2, vm0, $0xb8;
	[tilespmem:$0x18080] =	vst v63  }
0x27: {  	s2 =	simm.s32 $0x880  }
0x28: {  	[tilespmem:s2], [sflag:$0x1] =	stream.indirect_vreg.gather [hbm4b:s4+s3], $0x80, v2, vm0, $0xb8;
	[tilespmem:$0x18080] =	vst v63  }
0x29: {  	s20 =	simm.s32 $0x1080  }
0x2a: {  	[tilespmem:s20], [sflag:$0x1] =	stream.indirect_vreg.gather [hbm4b:s5+s3], $0x80, v2, vm0, $0xb8;
	[tilespmem:$0x18080] =	vst v63  }
0x2b: {  	s21 =	simm.s32 $0x1880  }
0x2c: {  	[tilespmem:s21], [sflag:$0x1] =	stream.indirect_vreg.gather [hbm4b:s6+s3], $0x80, v2, vm0, $0xb8;
	[tilespmem:$0x18080] =	vst v63  }
0x2d: {  	s22 =	simm.s32 $0x2080  }
0x2e: {  	[tilespmem:s22], [sflag:$0x1] =	stream.indirect_vreg.gather [hbm4b:s7+s3], $0x80, v2, vm0, $0xb8;
	[tilespmem:$0x18080] =	vst v63  }
0x2f: {  	s23 =	simm.s32 $0x2880  }
0x30: {  	[tilespmem:s23], [sflag:$0x1] =	stream.indirect_vreg.gather [hbm4b:s8+s3], $0x80, v2, vm0, $0xb8;
	[tilespmem:$0x18080] =	vst v63  }
0x31: {  	s24 =	simm.s32 $0x3080  }
0x32: {  	[tilespmem:s24], [sflag:$0x1] =	stream.indirect_vreg.gather [hbm4b:s9+s3], $0x80, v2, vm0, $0xb8;
	[tilespmem:$0x18080] =	vst v63  }
0x33: {  	s25 =	simm.s32 $0x3880  }
0x34: {  	[tilespmem:s25], [sflag:$0x1] =	stream.indirect_vreg.gather [hbm4b:s10+s3], $0x80, v2, vm0, $0xb8;
	[tilespmem:$0x18080] =	vst v63  }
0x35: {  	s28 =	simm.s32 $0x4080  }
0x36: {  	[tilespmem:s28], [sflag:$0x1] =	stream.indirect_vreg.gather [hbm4b:s11+s3], $0x80, v2, vm0, $0xb8;
	[tilespmem:$0x18080] =	vst v63  }
0x37: {  	s30 =	simm.s32 $0x4880  }
0x38: {  	[tilespmem:s30], [sflag:$0x1] =	stream.indirect_vreg.gather [hbm4b:s12+s3], $0x80, v2, vm0, $0xb8;
	[tilespmem:$0x18080] =	vst v63  }
0x39: {  	s31 =	simm.s32 $0x5080  }
0x3a: {  	[tilespmem:s31], [sflag:$0x1] =	stream.indirect_vreg.gather [hbm4b:s13+s3], $0x80, v2, vm0, $0xb8;
	[tilespmem:$0x18080] =	vst v63  }
0x3b: {  	s2 =	simm.s32 $0x5880  }
0x3c: {  	[tilespmem:s2], [sflag:$0x1] =	stream.indirect_vreg.gather [hbm4b:s14+s3], $0x80, v2, vm0, $0xb8;
	[tilespmem:$0x18080] =	vst v63  }
0x3d: {  	s20 =	simm.s32 $0x6080  }
0x3e: {  	[tilespmem:s20], [sflag:$0x1] =	stream.indirect_vreg.gather [hbm4b:s15+s3], $0x80, v2, vm0, $0xb8;
	[tilespmem:$0x18080] =	vst v63  }
0x3f: {  	s21 =	simm.s32 $0x6880  }
0x40: {  	[tilespmem:s21], [sflag:$0x1] =	stream.indirect_vreg.gather [hbm4b:s16+s3], $0x80, v2, vm0, $0xb8;
	[tilespmem:$0x18080] =	vst v63  }
0x41: {  	s22 =	simm.s32 $0x7080  }
0x42: {  	[tilespmem:s22], [sflag:$0x1] =	stream.indirect_vreg.gather [hbm4b:s17+s3], $0x80, v2, vm0, $0xb8;
	[tilespmem:$0x18080] =	vst v63  }
0x43: {  	s23 =	simm.s32 $0x7880  }
0x44: {  	[tilespmem:s23], [sflag:$0x1] =	stream.indirect_vreg.gather [hbm4b:s18+s3], $0x80, v2, vm0, $0xb8;
	[tilespmem:$0x18080] =	vst v63  }
0x45: {  	v2 =	vld.msk [tilespmem:$0x8], $0xff;
	_ =	sdelay $0x4  }
0x46: {  	v3 =	vshll.u32 v2, $0x5  }
0x47: {  	v2 =	vand.u32 $0x7, v2;
	v3 =	vand.u32 $0xFFFFFF00, v3  }
0x48: {  	v2 =	vor.u32 v2, v3  }
0x49: {  	v2 =	vperm.xlane v2, v0;
	_ =	sdelay $0x1  }
0x4a: {  	v2 =	vadd.s32 v1, v2;
	_ =	sdelay $0x3  }
0x4b: {  	s24 =	simm.s32 $0x8080  }
0x4c: {  	[tilespmem:s24], [sflag:$0x1] =	stream.indirect_vreg.gather [hbm4b:s1+s3], $0x80, v2, vm0, $0xb8;
	[tilespmem:$0x18080] =	vst v63  }
0x4d: {  	s25 =	simm.s32 $0x8880  }
0x4e: {  	[tilespmem:s25], [sflag:$0x1] =	stream.indirect_vreg.gather [hbm4b:s4+s3], $0x80, v2, vm0, $0xb8;
	[tilespmem:$0x18080] =	vst v63  }
0x4f: {  	s28 =	simm.s32 $0x9080  }
0x50: {  	[tilespmem:s28], [sflag:$0x1] =	stream.indirect_vreg.gather [hbm4b:s5+s3], $0x80, v2, vm0, $0xb8;
	[tilespmem:$0x18080] =	vst v63  }
0x51: {  	s30 =	simm.s32 $0x9880  }
0x52: {  	[tilespmem:s30], [sflag:$0x1] =	stream.indirect_vreg.gather [hbm4b:s6+s3], $0x80, v2, vm0, $0xb8;
	[tilespmem:$0x18080] =	vst v63  }
0x53: {  	s31 =	simm.s32 $0xA080  }
0x54: {  	[tilespmem:s31], [sflag:$0x1] =	stream.indirect_vreg.gather [hbm4b:s7+s3], $0x80, v2, vm0, $0xb8;
	[tilespmem:$0x18080] =	vst v63  }
0x55: {  	s2 =	simm.s32 $0xA880  }
0x56: {  	[tilespmem:s2], [sflag:$0x1] =	stream.indirect_vreg.gather [hbm4b:s8+s3], $0x80, v2, vm0, $0xb8;
	[tilespmem:$0x18080] =	vst v63  }
0x57: {  	s20 =	simm.s32 $0xB080  }
0x58: {  	[tilespmem:s20], [sflag:$0x1] =	stream.indirect_vreg.gather [hbm4b:s9+s3], $0x80, v2, vm0, $0xb8;
	[tilespmem:$0x18080] =	vst v63  }
0x59: {  	s21 =	simm.s32 $0xB880  }
0x5a: {  	[tilespmem:s21], [sflag:$0x1] =	stream.indirect_vreg.gather [hbm4b:s10+s3], $0x80, v2, vm0, $0xb8;
	[tilespmem:$0x18080] =	vst v63  }
0x5b: {  	s22 =	simm.s32 $0xC080  }
0x5c: {  	[tilespmem:s22], [sflag:$0x1] =	stream.indirect_vreg.gather [hbm4b:s11+s3], $0x80, v2, vm0, $0xb8;
	[tilespmem:$0x18080] =	vst v63  }
0x5d: {  	s23 =	simm.s32 $0xC880  }
0x5e: {  	[tilespmem:s23], [sflag:$0x1] =	stream.indirect_vreg.gather [hbm4b:s12+s3], $0x80, v2, vm0, $0xb8;
	[tilespmem:$0x18080] =	vst v63  }
0x5f: {  	s24 =	simm.s32 $0xD080  }
0x60: {  	[tilespmem:s24], [sflag:$0x1] =	stream.indirect_vreg.gather [hbm4b:s13+s3], $0x80, v2, vm0, $0xb8;
	[tilespmem:$0x18080] =	vst v63  }
0x61: {  	s25 =	simm.s32 $0xD880  }
0x62: {  	[tilespmem:s25], [sflag:$0x1] =	stream.indirect_vreg.gather [hbm4b:s14+s3], $0x80, v2, vm0, $0xb8;
	[tilespmem:$0x18080] =	vst v63  }
0x63: {  	s28 =	simm.s32 $0xE080  }
0x64: {  	[tilespmem:s28], [sflag:$0x1] =	stream.indirect_vreg.gather [hbm4b:s15+s3], $0x80, v2, vm0, $0xb8;
	[tilespmem:$0x18080] =	vst v63  }
0x65: {  	s30 =	simm.s32 $0xE880  }
0x66: {  	[tilespmem:s30], [sflag:$0x1] =	stream.indirect_vreg.gather [hbm4b:s16+s3], $0x80, v2, vm0, $0xb8;
	[tilespmem:$0x18080] =	vst v63  }
0x67: {  	s31 =	simm.s32 $0xF080  }
0x68: {  	[tilespmem:s31], [sflag:$0x1] =	stream.indirect_vreg.gather [hbm4b:s17+s3], $0x80, v2, vm0, $0xb8;
	[tilespmem:$0x18080] =	vst v63  }
0x69: {  	s2 =	simm.s32 $0xF880  }
0x6a: {  	[tilespmem:s2], [sflag:$0x1] =	stream.indirect_vreg.gather [hbm4b:s18+s3], $0x80, v2, vm0, $0xb8;
	[tilespmem:$0x18080] =	vst v63  }
0x6b: {  	_ =	swait.ge [sflag:s26], $0x8000  }
0x6c: {  	[sflag:s26] =	ssyncset.done $0x0  }
0x6d: {  	[sflag:s26] =	ssyncadd.s32 $0xFFFF8000  }
0x6e: {  	v2 =	vld.msk [tilespmem:$0x10], $0xff;
	_ =	sdelay $0x4  }
0x6f: {  	v3 =	vshll.u32 v2, $0x5  }
0x70: {  	v2 =	vand.u32 $0x7, v2;
	v3 =	vand.u32 $0xFFFFFF00, v3  }
0x71: {  	v2 =	vor.u32 v2, v3  }
0x72: {  	v2 =	vperm.xlane v2, v0;
	_ =	sdelay $0x1  }
0x73: {  	v2 =	vadd.s32 v1, v2;
	_ =	sdelay $0x3  }
0x74: {  	s20 =	simm.s32 $0x10080  }
0x75: {  	[tilespmem:s20], [sflag:$0x1] =	stream.indirect_vreg.gather [hbm4b:s1+s3], $0x80, v2, vm0, $0xb8;
	[tilespmem:$0x18080] =	vst v63  }
0x76: {  	s21 =	simm.s32 $0x10880  }
0x77: {  	[tilespmem:s21], [sflag:$0x1] =	stream.indirect_vreg.gather [hbm4b:s4+s3], $0x80, v2, vm0, $0xb8;
	[tilespmem:$0x18080] =	vst v63  }
0x78: {  	s22 =	simm.s32 $0x11080  }
0x79: {  	[tilespmem:s22], [sflag:$0x1] =	stream.indirect_vreg.gather [hbm4b:s5+s3], $0x80, v2, vm0, $0xb8;
	[tilespmem:$0x18080] =	vst v63  }
0x7a: {  	s23 =	simm.s32 $0x11880  }
0x7b: {  	[tilespmem:s23], [sflag:$0x1] =	stream.indirect_vreg.gather [hbm4b:s6+s3], $0x80, v2, vm0, $0xb8;
	[tilespmem:$0x18080] =	vst v63  }
0x7c: {  	s24 =	simm.s32 $0x12080  }
0x7d: {  	[tilespmem:s24], [sflag:$0x1] =	stream.indirect_vreg.gather [hbm4b:s7+s3], $0x80, v2, vm0, $0xb8;
	[tilespmem:$0x18080] =	vst v63  }
0x7e: {  	s25 =	simm.s32 $0x12880  }
0x7f: {  	[tilespmem:s25], [sflag:$0x1] =	stream.indirect_vreg.gather [hbm4b:s8+s3], $0x80, v2, vm0, $0xb8;
	[tilespmem:$0x18080] =	vst v63  }
0x80: {  	s28 =	simm.s32 $0x13080  }
0x81: {  	[tilespmem:s28], [sflag:$0x1] =	stream.indirect_vreg.gather [hbm4b:s9+s3], $0x80, v2, vm0, $0xb8;
	[tilespmem:$0x18080] =	vst v63  }
0x82: {  	s30 =	simm.s32 $0x13880  }
0x83: {  	[tilespmem:s30], [sflag:$0x1] =	stream.indirect_vreg.gather [hbm4b:s10+s3], $0x80, v2, vm0, $0xb8;
	[tilespmem:$0x18080] =	vst v63  }
0x84: {  	s31 =	simm.s32 $0x14080  }
0x85: {  	[tilespmem:s31], [sflag:$0x1] =	stream.indirect_vreg.gather [hbm4b:s11+s3], $0x80, v2, vm0, $0xb8;
	[tilespmem:$0x18080] =	vst v63  }
0x86: {  	s2 =	simm.s32 $0x14880  }
0x87: {  	[tilespmem:s2], [sflag:$0x1] =	stream.indirect_vreg.gather [hbm4b:s12+s3], $0x80, v2, vm0, $0xb8;
	[tilespmem:$0x18080] =	vst v63  }
0x88: {  	s20 =	simm.s32 $0x15080  }
0x89: {  	[tilespmem:s20], [sflag:$0x1] =	stream.indirect_vreg.gather [hbm4b:s13+s3], $0x80, v2, vm0, $0xb8;
	[tilespmem:$0x18080] =	vst v63  }
0x8a: {  	s21 =	simm.s32 $0x15880  }
0x8b: {  	[tilespmem:s21], [sflag:$0x1] =	stream.indirect_vreg.gather [hbm4b:s14+s3], $0x80, v2, vm0, $0xb8;
	[tilespmem:$0x18080] =	vst v63  }
0x8c: {  	s22 =	simm.s32 $0x16080  }
0x8d: {  	[tilespmem:s22], [sflag:$0x1] =	stream.indirect_vreg.gather [hbm4b:s15+s3], $0x80, v2, vm0, $0xb8;
	[tilespmem:$0x18080] =	vst v63  }
0x8e: {  	s23 =	simm.s32 $0x16880  }
0x8f: {  	[tilespmem:s23], [sflag:$0x1] =	stream.indirect_vreg.gather [hbm4b:s16+s3], $0x80, v2, vm0, $0xb8;
	[tilespmem:$0x18080] =	vst v63  }
0x90: {  	s24 =	simm.s32 $0x17080  }
0x91: {  	[tilespmem:s24], [sflag:$0x1] =	stream.indirect_vreg.gather [hbm4b:s17+s3], $0x80, v2, vm0, $0xb8;
	[tilespmem:$0x18080] =	vst v63  }
0x92: {  	s28 =	simm.s32 $0x17880  }
0x93: {  	[tilespmem:s28], [sflag:$0x1] =	stream.indirect_vreg.gather [hbm4b:s18+s3], $0x80, v2, vm0, $0xb8;
	[tilespmem:$0x18080] =	vst v63  }
0x94: {  	s25 =	rddreg [dreg:$0x4]  }
0x95: {  	[hbm4b:s25+s3] =	stream.linear.scatter [tilespmem:s19], [sflag:$0x2], $0x8000, $0x38;
	[tilespmem:$0x18080] =	vst v63  }
0x96: {  	_ =	swait.ge [sflag:s26], $0x8000  }
0x97: {  	[sflag:s26] =	ssyncset.done $0x0  }
0x98: {  	[sflag:s26] =	ssyncadd.s32 $0xFFFF8000  }
0x99: {  	_ =	swait.ge [sflag:s29], $0x8000  }
0x9a: {  	[sflag:s29] =	ssyncset.done $0x0  }
0x9b: {  	[sflag:s29] =	ssyncadd.s32 $0xFFFF8000  }
0x9c: {  	v2 =	vld.msk [tilespmem:$0x18], $0xff;
	_ =	sdelay $0x4  }
0x9d: {  	v3 =	vshll.u32 v2, $0x5  }
0x9e: {  	v2 =	vand.u32 $0x7, v2;
	v3 =	vand.u32 $0xFFFFFF00, v3  }
0x9f: {  	v2 =	vor.u32 v2, v3  }
0xa0: {  	v2 =	vperm.xlane v2, v0;
	_ =	sdelay $0x1  }
0xa1: {  	v2 =	vadd.s32 v1, v2;
	_ =	sdelay $0x4  }
0xa2: {  	[tilespmem:s19], [sflag:$0x1] =	stream.indirect_vreg.gather [hbm4b:s1+s3], $0x80, v2, vm0, $0xb8;
	[tilespmem:$0x18080] =	vst v63  }
0xa3: {  	s25 =	simm.s32 $0x880  }
0xa4: {  	[tilespmem:s25], [sflag:$0x1] =	stream.indirect_vreg.gather [hbm4b:s4+s3], $0x80, v2, vm0, $0xb8;
	[tilespmem:$0x18080] =	vst v63  }
0xa5: {  	s31 =	simm.s32 $0x1080  }
0xa6: {  	[tilespmem:s31], [sflag:$0x1] =	stream.indirect_vreg.gather [hbm4b:s5+s3], $0x80, v2, vm0, $0xb8;
	[tilespmem:$0x18080] =	vst v63  }
0xa7: {  	s20 =	simm.s32 $0x1880  }
0xa8: {  	[tilespmem:s20], [sflag:$0x1] =	stream.indirect_vreg.gather [hbm4b:s6+s3], $0x80, v2, vm0, $0xb8;
	[tilespmem:$0x18080] =	vst v63  }
0xa9: {  	s22 =	simm.s32 $0x2080  }
0xaa: {  	[tilespmem:s22], [sflag:$0x1] =	stream.indirect_vreg.gather [hbm4b:s7+s3], $0x80, v2, vm0, $0xb8;
	[tilespmem:$0x18080] =	vst v63  }
0xab: {  	s23 =	simm.s32 $0x2880  }
0xac: {  	[tilespmem:s23], [sflag:$0x1] =	stream.indirect_vreg.gather [hbm4b:s8+s3], $0x80, v2, vm0, $0xb8;
	[tilespmem:$0x18080] =	vst v63  }
0xad: {  	s24 =	simm.s32 $0x3080  }
0xae: {  	[tilespmem:s24], [sflag:$0x1] =	stream.indirect_vreg.gather [hbm4b:s9+s3], $0x80, v2, vm0, $0xb8;
	[tilespmem:$0x18080] =	vst v63  }
0xaf: {  	s31 =	simm.s32 $0x3880  }
0xb0: {  	[tilespmem:s31], [sflag:$0x1] =	stream.indirect_vreg.gather [hbm4b:s10+s3], $0x80, v2, vm0, $0xb8;
	[tilespmem:$0x18080] =	vst v63  }
0xb1: {  	s21 =	simm.s32 $0x4080  }
0xb2: {  	[tilespmem:s21], [sflag:$0x1] =	stream.indirect_vreg.gather [hbm4b:s11+s3], $0x80, v2, vm0, $0xb8;
	[tilespmem:$0x18080] =	vst v63  }
0xb3: {  	s28 =	simm.s32 $0x4880  }
0xb4: {  	[tilespmem:s28], [sflag:$0x1] =	stream.indirect_vreg.gather [hbm4b:s12+s3], $0x80, v2, vm0, $0xb8;
	[tilespmem:$0x18080] =	vst v63  }
0xb5: {  	s2 =	simm.s32 $0x5080  }
0xb6: {  	[tilespmem:s2], [sflag:$0x1] =	stream.indirect_vreg.gather [hbm4b:s13+s3], $0x80, v2, vm0, $0xb8;
	[tilespmem:$0x18080] =	vst v63  }
0xb7: {  	s2 =	simm.s32 $0x5880  }
0xb8: {  	[tilespmem:s2], [sflag:$0x1] =	stream.indirect_vreg.gather [hbm4b:s14+s3], $0x80, v2, vm0, $0xb8;
	[tilespmem:$0x18080] =	vst v63  }
0xb9: {  	s30 =	simm.s32 $0x6080  }
0xba: {  	[tilespmem:s30], [sflag:$0x1] =	stream.indirect_vreg.gather [hbm4b:s15+s3], $0x80, v2, vm0, $0xb8;
	[tilespmem:$0x18080] =	vst v63  }
0xbb: {  	s30 =	simm.s32 $0x6880  }
0xbc: {  	[tilespmem:s30], [sflag:$0x1] =	stream.indirect_vreg.gather [hbm4b:s16+s3], $0x80, v2, vm0, $0xb8;
	[tilespmem:$0x18080] =	vst v63  }
0xbd: {  	s30 =	simm.s32 $0x7080  }
0xbe: {  	[tilespmem:s30], [sflag:$0x1] =	stream.indirect_vreg.gather [hbm4b:s17+s3], $0x80, v2, vm0, $0xb8;
	[tilespmem:$0x18080] =	vst v63  }
0xbf: {  	s0 =	simm.s32 $0x7880  }
0xc0: {  	[tilespmem:s0], [sflag:$0x1] =	stream.indirect_vreg.gather [hbm4b:s18+s3], $0x80, v2, vm0, $0xb8;
	[tilespmem:$0x18080] =	vst v63  }
0xc1: {  	s30 =	rddreg [dreg:$0x5];
	s0 =	simm.s32 $0x8080  }
0xc2: {  	[hbm4b:s30+s3] =	stream.linear.scatter [tilespmem:s0], [sflag:$0x2], $0x8000, $0x38;
	[tilespmem:$0x18080] =	vst v63  }
0xc3: {  	_ =	swait.ge [sflag:s26], $0x8000  }
0xc4: {  	[sflag:s26] =	ssyncset.done $0x0  }
0xc5: {  	[sflag:s26] =	ssyncadd.s32 $0xFFFF8000  }
0xc6: {  	_ =	swait.ge [sflag:s29], $0x8000  }
0xc7: {  	[sflag:s29] =	ssyncset.done $0x0  }
0xc8: {  	[sflag:s29] =	ssyncadd.s32 $0xFFFF8000  }
0xc9: {  	v2 =	vld.msk [tilespmem:$0x20], $0xff;
	_ =	sdelay $0x4  }
0xca: {  	v3 =	vshll.u32 v2, $0x5  }
0xcb: {  	v2 =	vand.u32 $0x7, v2;
	v3 =	vand.u32 $0xFFFFFF00, v3  }
0xcc: {  	v2 =	vor.u32 v2, v3  }
0xcd: {  	v2 =	vperm.xlane v2, v0;
	_ =	sdelay $0x1  }
0xce: {  	v2 =	vadd.s32 v1, v2;
	_ =	sdelay $0x4  }
0xcf: {  	[tilespmem:s0], [sflag:$0x1] =	stream.indirect_vreg.gather [hbm4b:s1+s3], $0x80, v2, vm0, $0xb8;
	[tilespmem:$0x18080] =	vst v63  }
0xd0: {  	s30 =	simm.s32 $0x8880  }
0xd1: {  	[tilespmem:s30], [sflag:$0x1] =	stream.indirect_vreg.gather [hbm4b:s4+s3], $0x80, v2, vm0, $0xb8;
	[tilespmem:$0x18080] =	vst v63  }
0xd2: {  	s30 =	simm.s32 $0x9080  }
0xd3: {  	[tilespmem:s30], [sflag:$0x1] =	stream.indirect_vreg.gather [hbm4b:s5+s3], $0x80, v2, vm0, $0xb8;
	[tilespmem:$0x18080] =	vst v63  }
0xd4: {  	s30 =	simm.s32 $0x9880  }
0xd5: {  	[tilespmem:s30], [sflag:$0x1] =	stream.indirect_vreg.gather [hbm4b:s6+s3], $0x80, v2, vm0, $0xb8;
	[tilespmem:$0x18080] =	vst v63  }
0xd6: {  	s30 =	simm.s32 $0xA080  }
0xd7: {  	[tilespmem:s30], [sflag:$0x1] =	stream.indirect_vreg.gather [hbm4b:s7+s3], $0x80, v2, vm0, $0xb8;
	[tilespmem:$0x18080] =	vst v63  }
0xd8: {  	s30 =	simm.s32 $0xA880  }
0xd9: {  	[tilespmem:s30], [sflag:$0x1] =	stream.indirect_vreg.gather [hbm4b:s8+s3], $0x80, v2, vm0, $0xb8;
	[tilespmem:$0x18080] =	vst v63  }
0xda: {  	s30 =	simm.s32 $0xB080  }
0xdb: {  	[tilespmem:s30], [sflag:$0x1] =	stream.indirect_vreg.gather [hbm4b:s9+s3], $0x80, v2, vm0, $0xb8;
	[tilespmem:$0x18080] =	vst v63  }
0xdc: {  	s30 =	simm.s32 $0xB880  }
0xdd: {  	[tilespmem:s30], [sflag:$0x1] =	stream.indirect_vreg.gather [hbm4b:s10+s3], $0x80, v2, vm0, $0xb8;
	[tilespmem:$0x18080] =	vst v63  }
0xde: {  	s30 =	simm.s32 $0xC080  }
0xdf: {  	[tilespmem:s30], [sflag:$0x1] =	stream.indirect_vreg.gather [hbm4b:s11+s3], $0x80, v2, vm0, $0xb8;
	[tilespmem:$0x18080] =	vst v63  }
0xe0: {  	s30 =	simm.s32 $0xC880  }
0xe1: {  	[tilespmem:s30], [sflag:$0x1] =	stream.indirect_vreg.gather [hbm4b:s12+s3], $0x80, v2, vm0, $0xb8;
	[tilespmem:$0x18080] =	vst v63  }
0xe2: {  	s30 =	simm.s32 $0xD080  }
0xe3: {  	[tilespmem:s30], [sflag:$0x1] =	stream.indirect_vreg.gather [hbm4b:s13+s3], $0x80, v2, vm0, $0xb8;
	[tilespmem:$0x18080] =	vst v63  }
0xe4: {  	s30 =	simm.s32 $0xD880  }
0xe5: {  	[tilespmem:s30], [sflag:$0x1] =	stream.indirect_vreg.gather [hbm4b:s14+s3], $0x80, v2, vm0, $0xb8;
	[tilespmem:$0x18080] =	vst v63  }
0xe6: {  	s30 =	simm.s32 $0xE080  }
0xe7: {  	[tilespmem:s30], [sflag:$0x1] =	stream.indirect_vreg.gather [hbm4b:s15+s3], $0x80, v2, vm0, $0xb8;
	[tilespmem:$0x18080] =	vst v63  }
0xe8: {  	s30 =	simm.s32 $0xE880  }
0xe9: {  	[tilespmem:s30], [sflag:$0x1] =	stream.indirect_vreg.gather [hbm4b:s16+s3], $0x80, v2, vm0, $0xb8;
	[tilespmem:$0x18080] =	vst v63  }
0xea: {  	s30 =	simm.s32 $0xF080  }
0xeb: {  	[tilespmem:s30], [sflag:$0x1] =	stream.indirect_vreg.gather [hbm4b:s17+s3], $0x80, v2, vm0, $0xb8;
	[tilespmem:$0x18080] =	vst v63  }
0xec: {  	s0 =	simm.s32 $0xF880  }
0xed: {  	[tilespmem:s0], [sflag:$0x1] =	stream.indirect_vreg.gather [hbm4b:s18+s3], $0x80, v2, vm0, $0xb8;
	[tilespmem:$0x18080] =	vst v63  }
0xee: {  	s30 =	rddreg [dreg:$0x6];
	s0 =	simm.s32 $0x10080  }
0xef: {  	[hbm4b:s30+s3] =	stream.linear.scatter [tilespmem:s0], [sflag:$0x2], $0x8000, $0x38;
	[tilespmem:$0x18080] =	vst v63  }
0xf0: {  	_ =	swait.ge [sflag:s26], $0x8000  }
0xf1: {  	[sflag:s26] =	ssyncset.done $0x0  }
0xf2: {  	[sflag:s26] =	ssyncadd.s32 $0xFFFF8000  }
0xf3: {  	_ =	swait.ge [sflag:s29], $0x8000  }
0xf4: {  	[sflag:s29] =	ssyncset.done $0x0  }
0xf5: {  	[sflag:s29] =	ssyncadd.s32 $0xFFFF8000  }
0xf6: {  	v2 =	vld.msk [tilespmem:$0x28], $0xff;
	_ =	sdelay $0x4  }
0xf7: {  	v3 =	vshll.u32 v2, $0x5  }
0xf8: {  	v2 =	vand.u32 $0x7, v2;
	v3 =	vand.u32 $0xFFFFFF00, v3  }
0xf9: {  	v2 =	vor.u32 v2, v3  }
0xfa: {  	v2 =	vperm.xlane v2, v0;
	_ =	sdelay $0x1  }
0xfb: {  	v2 =	vadd.s32 v1, v2;
	_ =	sdelay $0x4  }
0xfc: {  	[tilespmem:s0], [sflag:$0x1] =	stream.indirect_vreg.gather [hbm4b:s1+s3], $0x80, v2, vm0, $0xb8;
	[tilespmem:$0x18080] =	vst v63  }
0xfd: {  	s30 =	simm.s32 $0x10880  }
0xfe: {  	[tilespmem:s30], [sflag:$0x1] =	stream.indirect_vreg.gather [hbm4b:s4+s3], $0x80, v2, vm0, $0xb8;
	[tilespmem:$0x18080] =	vst v63  }
0xff: {  	s30 =	simm.s32 $0x11080  }
0x100: {  	[tilespmem:s30], [sflag:$0x1] =	stream.indirect_vreg.gather [hbm4b:s5+s3], $0x80, v2, vm0, $0xb8;
	[tilespmem:$0x18080] =	vst v63  }
0x101: {  	s30 =	simm.s32 $0x11880  }
0x102: {  	[tilespmem:s30], [sflag:$0x1] =	stream.indirect_vreg.gather [hbm4b:s6+s3], $0x80, v2, vm0, $0xb8;
	[tilespmem:$0x18080] =	vst v63  }
0x103: {  	s30 =	simm.s32 $0x12080  }
0x104: {  	[tilespmem:s30], [sflag:$0x1] =	stream.indirect_vreg.gather [hbm4b:s7+s3], $0x80, v2, vm0, $0xb8;
	[tilespmem:$0x18080] =	vst v63  }
0x105: {  	s30 =	simm.s32 $0x12880  }
0x106: {  	[tilespmem:s30], [sflag:$0x1] =	stream.indirect_vreg.gather [hbm4b:s8+s3], $0x80, v2, vm0, $0xb8;
	[tilespmem:$0x18080] =	vst v63  }
0x107: {  	s30 =	simm.s32 $0x13080  }
0x108: {  	[tilespmem:s30], [sflag:$0x1] =	stream.indirect_vreg.gather [hbm4b:s9+s3], $0x80, v2, vm0, $0xb8;
	[tilespmem:$0x18080] =	vst v63  }
0x109: {  	s30 =	simm.s32 $0x13880  }
0x10a: {  	[tilespmem:s30], [sflag:$0x1] =	stream.indirect_vreg.gather [hbm4b:s10+s3], $0x80, v2, vm0, $0xb8;
	[tilespmem:$0x18080] =	vst v63  }
0x10b: {  	s30 =	simm.s32 $0x14080  }
0x10c: {  	[tilespmem:s30], [sflag:$0x1] =	stream.indirect_vreg.gather [hbm4b:s11+s3], $0x80, v2, vm0, $0xb8;
	[tilespmem:$0x18080] =	vst v63  }
0x10d: {  	s30 =	simm.s32 $0x14880  }
0x10e: {  	[tilespmem:s30], [sflag:$0x1] =	stream.indirect_vreg.gather [hbm4b:s12+s3], $0x80, v2, vm0, $0xb8;
	[tilespmem:$0x18080] =	vst v63  }
0x10f: {  	s30 =	simm.s32 $0x15080  }
0x110: {  	[tilespmem:s30], [sflag:$0x1] =	stream.indirect_vreg.gather [hbm4b:s13+s3], $0x80, v2, vm0, $0xb8;
	[tilespmem:$0x18080] =	vst v63  }
0x111: {  	s30 =	simm.s32 $0x15880  }
0x112: {  	[tilespmem:s30], [sflag:$0x1] =	stream.indirect_vreg.gather [hbm4b:s14+s3], $0x80, v2, vm0, $0xb8;
	[tilespmem:$0x18080] =	vst v63  }
0x113: {  	s30 =	simm.s32 $0x16080  }
0x114: {  	[tilespmem:s30], [sflag:$0x1] =	stream.indirect_vreg.gather [hbm4b:s15+s3], $0x80, v2, vm0, $0xb8;
	[tilespmem:$0x18080] =	vst v63  }
0x115: {  	s30 =	simm.s32 $0x16880  }
0x116: {  	[tilespmem:s30], [sflag:$0x1] =	stream.indirect_vreg.gather [hbm4b:s16+s3], $0x80, v2, vm0, $0xb8;
	[tilespmem:$0x18080] =	vst v63  }
0x117: {  	s30 =	simm.s32 $0x17080  }
0x118: {  	[tilespmem:s30], [sflag:$0x1] =	stream.indirect_vreg.gather [hbm4b:s17+s3], $0x80, v2, vm0, $0xb8;
	[tilespmem:$0x18080] =	vst v63  }
0x119: {  	s0 =	simm.s32 $0x17880  }
0x11a: {  	[tilespmem:s0], [sflag:$0x1] =	stream.indirect_vreg.gather [hbm4b:s18+s3], $0x80, v2, vm0, $0xb8;
	[tilespmem:$0x18080] =	vst v63  }
0x11b: {  	s30 =	rddreg [dreg:$0x7]  }
0x11c: {  	[hbm4b:s30+s3] =	stream.linear.scatter [tilespmem:s19], [sflag:$0x2], $0x8000, $0x38;
	[tilespmem:$0x18080] =	vst v63  }
0x11d: {  	_ =	swait.ge [sflag:s26], $0x8000  }
0x11e: {  	[sflag:s26] =	ssyncset.done $0x0  }
0x11f: {  	[sflag:s26] =	ssyncadd.s32 $0xFFFF8000  }
0x120: {  	_ =	swait.ge [sflag:s29], $0x8000  }
0x121: {  	[sflag:s29] =	ssyncset.done $0x0  }
0x122: {  	[sflag:s29] =	ssyncadd.s32 $0xFFFF8000  }
0x123: {  	v2 =	vld.msk [tilespmem:$0x30], $0xff;
	_ =	sdelay $0x4  }
0x124: {  	v3 =	vshll.u32 v2, $0x5  }
0x125: {  	v2 =	vand.u32 $0x7, v2;
	v3 =	vand.u32 $0xFFFFFF00, v3  }
0x126: {  	v2 =	vor.u32 v2, v3  }
0x127: {  	v2 =	vperm.xlane v2, v0;
	_ =	sdelay $0x1  }
0x128: {  	v2 =	vadd.s32 v1, v2;
	_ =	sdelay $0x4  }
0x129: {  	[tilespmem:s19], [sflag:$0x1] =	stream.indirect_vreg.gather [hbm4b:s1+s3], $0x80, v2, vm0, $0xb8;
	[tilespmem:$0x18080] =	vst v63  }
0x12a: {  	_ = 	snop  }
0x12b: {  	[tilespmem:s25], [sflag:$0x1] =	stream.indirect_vreg.gather [hbm4b:s4+s3], $0x80, v2, vm0, $0xb8;
	[tilespmem:$0x18080] =	vst v63  }
0x12c: {  	s30 =	simm.s32 $0x1080  }
0x12d: {  	[tilespmem:s30], [sflag:$0x1] =	stream.indirect_vreg.gather [hbm4b:s5+s3], $0x80, v2, vm0, $0xb8;
	[tilespmem:$0x18080] =	vst v63  }
0x12e: {  	_ = 	snop  }
0x12f: {  	[tilespmem:s20], [sflag:$0x1] =	stream.indirect_vreg.gather [hbm4b:s6+s3], $0x80, v2, vm0, $0xb8;
	[tilespmem:$0x18080] =	vst v63  }
0x130: {  	_ = 	snop  }
0x131: {  	[tilespmem:s22], [sflag:$0x1] =	stream.indirect_vreg.gather [hbm4b:s7+s3], $0x80, v2, vm0, $0xb8;
	[tilespmem:$0x18080] =	vst v63  }
0x132: {  	_ = 	snop  }
0x133: {  	[tilespmem:s23], [sflag:$0x1] =	stream.indirect_vreg.gather [hbm4b:s8+s3], $0x80, v2, vm0, $0xb8;
	[tilespmem:$0x18080] =	vst v63  }
0x134: {  	_ = 	snop  }
0x135: {  	[tilespmem:s24], [sflag:$0x1] =	stream.indirect_vreg.gather [hbm4b:s9+s3], $0x80, v2, vm0, $0xb8;
	[tilespmem:$0x18080] =	vst v63  }
0x136: {  	_ = 	snop  }
0x137: {  	[tilespmem:s31], [sflag:$0x1] =	stream.indirect_vreg.gather [hbm4b:s10+s3], $0x80, v2, vm0, $0xb8;
	[tilespmem:$0x18080] =	vst v63  }
0x138: {  	_ = 	snop  }
0x139: {  	[tilespmem:s21], [sflag:$0x1] =	stream.indirect_vreg.gather [hbm4b:s11+s3], $0x80, v2, vm0, $0xb8;
	[tilespmem:$0x18080] =	vst v63  }
0x13a: {  	_ = 	snop  }
0x13b: {  	[tilespmem:s28], [sflag:$0x1] =	stream.indirect_vreg.gather [hbm4b:s12+s3], $0x80, v2, vm0, $0xb8;
	[tilespmem:$0x18080] =	vst v63  }
0x13c: {  	s30 =	simm.s32 $0x5080  }
0x13d: {  	[tilespmem:s30], [sflag:$0x1] =	stream.indirect_vreg.gather [hbm4b:s13+s3], $0x80, v2, vm0, $0xb8;
	[tilespmem:$0x18080] =	vst v63  }
0x13e: {  	_ = 	snop  }
0x13f: {  	[tilespmem:s2], [sflag:$0x1] =	stream.indirect_vreg.gather [hbm4b:s14+s3], $0x80, v2, vm0, $0xb8;
	[tilespmem:$0x18080] =	vst v63  }
0x140: {  	s20 =	simm.s32 $0x6080  }
0x141: {  	[tilespmem:s20], [sflag:$0x1] =	stream.indirect_vreg.gather [hbm4b:s15+s3], $0x80, v2, vm0, $0xb8;
	[tilespmem:$0x18080] =	vst v63  }
0x142: {  	s30 =	simm.s32 $0x6880  }
0x143: {  	[tilespmem:s30], [sflag:$0x1] =	stream.indirect_vreg.gather [hbm4b:s16+s3], $0x80, v2, vm0, $0xb8;
	[tilespmem:$0x18080] =	vst v63  }
0x144: {  	s2 =	simm.s32 $0x7080  }
0x145: {  	[tilespmem:s2], [sflag:$0x1] =	stream.indirect_vreg.gather [hbm4b:s17+s3], $0x80, v2, vm0, $0xb8;
	[tilespmem:$0x18080] =	vst v63  }
0x146: {  	s20 =	simm.s32 $0x7880  }
0x147: {  	[tilespmem:s20], [sflag:$0x1] =	stream.indirect_vreg.gather [hbm4b:s18+s3], $0x80, v2, vm0, $0xb8;
	[tilespmem:$0x18080] =	vst v63  }
0x148: {  	s30 =	rddreg [dreg:$0x8];
	s2 =	simm.s32 $0x8080  }
0x149: {  	[hbm4b:s30+s3] =	stream.linear.scatter [tilespmem:s2], [sflag:$0x2], $0x8000, $0x38;
	[tilespmem:$0x18080] =	vst v63  }
0x14a: {  	_ =	swait.ge [sflag:s26], $0x8000  }
0x14b: {  	[sflag:s26] =	ssyncset.done $0x0  }
0x14c: {  	[sflag:s26] =	ssyncadd.s32 $0xFFFF8000  }
0x14d: {  	_ =	swait.ge [sflag:s29], $0x8000  }
0x14e: {  	[sflag:s29] =	ssyncset.done $0x0  }
0x14f: {  	[sflag:s29] =	ssyncadd.s32 $0xFFFF8000  }
0x150: {  	v2 =	vld.msk [tilespmem:$0x38], $0xff;
	_ =	sdelay $0x4  }
0x151: {  	v3 =	vshll.u32 v2, $0x5  }
0x152: {  	v2 =	vand.u32 $0x7, v2;
	v3 =	vand.u32 $0xFFFFFF00, v3  }
0x153: {  	v2 =	vor.u32 v2, v3  }
0x154: {  	v2 =	vperm.xlane v2, v0;
	_ =	sdelay $0x1  }
0x155: {  	v2 =	vadd.s32 v1, v2;
	_ =	sdelay $0x4  }
0x156: {  	[tilespmem:s2], [sflag:$0x1] =	stream.indirect_vreg.gather [hbm4b:s1+s3], $0x80, v2, vm0, $0xb8;
	[tilespmem:$0x18080] =	vst v63  }
0x157: {  	s20 =	simm.s32 $0x8880  }
0x158: {  	[tilespmem:s20], [sflag:$0x1] =	stream.indirect_vreg.gather [hbm4b:s4+s3], $0x80, v2, vm0, $0xb8;
	[tilespmem:$0x18080] =	vst v63  }
0x159: {  	s30 =	simm.s32 $0x9080  }
0x15a: {  	[tilespmem:s30], [sflag:$0x1] =	stream.indirect_vreg.gather [hbm4b:s5+s3], $0x80, v2, vm0, $0xb8;
	[tilespmem:$0x18080] =	vst v63  }
0x15b: {  	s20 =	simm.s32 $0x9880  }
0x15c: {  	[tilespmem:s20], [sflag:$0x1] =	stream.indirect_vreg.gather [hbm4b:s6+s3], $0x80, v2, vm0, $0xb8;
	[tilespmem:$0x18080] =	vst v63  }
0x15d: {  	s30 =	simm.s32 $0xA080  }
0x15e: {  	[tilespmem:s30], [sflag:$0x1] =	stream.indirect_vreg.gather [hbm4b:s7+s3], $0x80, v2, vm0, $0xb8;
	[tilespmem:$0x18080] =	vst v63  }
0x15f: {  	s20 =	simm.s32 $0xA880  }
0x160: {  	[tilespmem:s20], [sflag:$0x1] =	stream.indirect_vreg.gather [hbm4b:s8+s3], $0x80, v2, vm0, $0xb8;
	[tilespmem:$0x18080] =	vst v63  }
0x161: {  	s30 =	simm.s32 $0xB080  }
0x162: {  	[tilespmem:s30], [sflag:$0x1] =	stream.indirect_vreg.gather [hbm4b:s9+s3], $0x80, v2, vm0, $0xb8;
	[tilespmem:$0x18080] =	vst v63  }
0x163: {  	s20 =	simm.s32 $0xB880  }
0x164: {  	[tilespmem:s20], [sflag:$0x1] =	stream.indirect_vreg.gather [hbm4b:s10+s3], $0x80, v2, vm0, $0xb8;
	[tilespmem:$0x18080] =	vst v63  }
0x165: {  	s30 =	simm.s32 $0xC080  }
0x166: {  	[tilespmem:s30], [sflag:$0x1] =	stream.indirect_vreg.gather [hbm4b:s11+s3], $0x80, v2, vm0, $0xb8;
	[tilespmem:$0x18080] =	vst v63  }
0x167: {  	s20 =	simm.s32 $0xC880  }
0x168: {  	[tilespmem:s20], [sflag:$0x1] =	stream.indirect_vreg.gather [hbm4b:s12+s3], $0x80, v2, vm0, $0xb8;
	[tilespmem:$0x18080] =	vst v63  }
0x169: {  	s30 =	simm.s32 $0xD080  }
0x16a: {  	[tilespmem:s30], [sflag:$0x1] =	stream.indirect_vreg.gather [hbm4b:s13+s3], $0x80, v2, vm0, $0xb8;
	[tilespmem:$0x18080] =	vst v63  }
0x16b: {  	s20 =	simm.s32 $0xD880  }
0x16c: {  	[tilespmem:s20], [sflag:$0x1] =	stream.indirect_vreg.gather [hbm4b:s14+s3], $0x80, v2, vm0, $0xb8;
	[tilespmem:$0x18080] =	vst v63  }
0x16d: {  	s30 =	simm.s32 $0xE080  }
0x16e: {  	[tilespmem:s30], [sflag:$0x1] =	stream.indirect_vreg.gather [hbm4b:s15+s3], $0x80, v2, vm0, $0xb8;
	[tilespmem:$0x18080] =	vst v63  }
0x16f: {  	s20 =	simm.s32 $0xE880  }
0x170: {  	[tilespmem:s20], [sflag:$0x1] =	stream.indirect_vreg.gather [hbm4b:s16+s3], $0x80, v2, vm0, $0xb8;
	[tilespmem:$0x18080] =	vst v63  }
0x171: {  	s30 =	simm.s32 $0xF080  }
0x172: {  	[tilespmem:s30], [sflag:$0x1] =	stream.indirect_vreg.gather [hbm4b:s17+s3], $0x80, v2, vm0, $0xb8;
	[tilespmem:$0x18080] =	vst v63  }
0x173: {  	s20 =	simm.s32 $0xF880  }
0x174: {  	[tilespmem:s20], [sflag:$0x1] =	stream.indirect_vreg.gather [hbm4b:s18+s3], $0x80, v2, vm0, $0xb8;
	[tilespmem:$0x18080] =	vst v63  }
0x175: {  	s30 =	rddreg [dreg:$0x9];
	s20 =	simm.s32 $0x10080  }
0x176: {  	[hbm4b:s30+s3] =	stream.linear.scatter [tilespmem:s20], [sflag:$0x2], $0x8000, $0x38;
	[tilespmem:$0x18080] =	vst v63  }
0x177: {  	_ =	swait.ge [sflag:s26], $0x8000  }
0x178: {  	[sflag:s26] =	ssyncset.done $0x0  }
0x179: {  	[sflag:s26] =	ssyncadd.s32 $0xFFFF8000  }
0x17a: {  	_ =	swait.ge [sflag:s29], $0x8000  }
0x17b: {  	[sflag:s29] =	ssyncset.done $0x0  }
0x17c: {  	[sflag:s29] =	ssyncadd.s32 $0xFFFF8000  }
0x17d: {  	v2 =	vld.msk [tilespmem:$0x40], $0xff;
	_ =	sdelay $0x4  }
0x17e: {  	v3 =	vshll.u32 v2, $0x5  }
0x17f: {  	v2 =	vand.u32 $0x7, v2;
	v3 =	vand.u32 $0xFFFFFF00, v3  }
0x180: {  	v2 =	vor.u32 v2, v3  }
0x181: {  	v2 =	vperm.xlane v2, v0;
	_ =	sdelay $0x1  }
0x182: {  	v2 =	vadd.s32 v1, v2;
	_ =	sdelay $0x4  }
0x183: {  	[tilespmem:s20], [sflag:$0x1] =	stream.indirect_vreg.gather [hbm4b:s1+s3], $0x80, v2, vm0, $0xb8;
	[tilespmem:$0x18080] =	vst v63  }
0x184: {  	s20 =	simm.s32 $0x10880  }
0x185: {  	[tilespmem:s20], [sflag:$0x1] =	stream.indirect_vreg.gather [hbm4b:s4+s3], $0x80, v2, vm0, $0xb8;
	[tilespmem:$0x18080] =	vst v63  }
0x186: {  	s20 =	simm.s32 $0x11080  }
0x187: {  	[tilespmem:s20], [sflag:$0x1] =	stream.indirect_vreg.gather [hbm4b:s5+s3], $0x80, v2, vm0, $0xb8;
	[tilespmem:$0x18080] =	vst v63  }
0x188: {  	s20 =	simm.s32 $0x11880  }
0x189: {  	[tilespmem:s20], [sflag:$0x1] =	stream.indirect_vreg.gather [hbm4b:s6+s3], $0x80, v2, vm0, $0xb8;
	[tilespmem:$0x18080] =	vst v63  }
0x18a: {  	s20 =	simm.s32 $0x12080  }
0x18b: {  	[tilespmem:s20], [sflag:$0x1] =	stream.indirect_vreg.gather [hbm4b:s7+s3], $0x80, v2, vm0, $0xb8;
	[tilespmem:$0x18080] =	vst v63  }
0x18c: {  	s20 =	simm.s32 $0x12880  }
0x18d: {  	[tilespmem:s20], [sflag:$0x1] =	stream.indirect_vreg.gather [hbm4b:s8+s3], $0x80, v2, vm0, $0xb8;
	[tilespmem:$0x18080] =	vst v63  }
0x18e: {  	s20 =	simm.s32 $0x13080  }
0x18f: {  	[tilespmem:s20], [sflag:$0x1] =	stream.indirect_vreg.gather [hbm4b:s9+s3], $0x80, v2, vm0, $0xb8;
	[tilespmem:$0x18080] =	vst v63  }
0x190: {  	s20 =	simm.s32 $0x13880  }
0x191: {  	[tilespmem:s20], [sflag:$0x1] =	stream.indirect_vreg.gather [hbm4b:s10+s3], $0x80, v2, vm0, $0xb8;
	[tilespmem:$0x18080] =	vst v63  }
0x192: {  	s20 =	simm.s32 $0x14080  }
0x193: {  	[tilespmem:s20], [sflag:$0x1] =	stream.indirect_vreg.gather [hbm4b:s11+s3], $0x80, v2, vm0, $0xb8;
	[tilespmem:$0x18080] =	vst v63  }
0x194: {  	s20 =	simm.s32 $0x14880  }
0x195: {  	[tilespmem:s20], [sflag:$0x1] =	stream.indirect_vreg.gather [hbm4b:s12+s3], $0x80, v2, vm0, $0xb8;
	[tilespmem:$0x18080] =	vst v63  }
0x196: {  	s20 =	simm.s32 $0x15080  }
0x197: {  	[tilespmem:s20], [sflag:$0x1] =	stream.indirect_vreg.gather [hbm4b:s13+s3], $0x80, v2, vm0, $0xb8;
	[tilespmem:$0x18080] =	vst v63  }
0x198: {  	s20 =	simm.s32 $0x15880  }
0x199: {  	[tilespmem:s20], [sflag:$0x1] =	stream.indirect_vreg.gather [hbm4b:s14+s3], $0x80, v2, vm0, $0xb8;
	[tilespmem:$0x18080] =	vst v63  }
0x19a: {  	s20 =	simm.s32 $0x16080  }
0x19b: {  	[tilespmem:s20], [sflag:$0x1] =	stream.indirect_vreg.gather [hbm4b:s15+s3], $0x80, v2, vm0, $0xb8;
	[tilespmem:$0x18080] =	vst v63  }
0x19c: {  	s20 =	simm.s32 $0x16880  }
0x19d: {  	[tilespmem:s20], [sflag:$0x1] =	stream.indirect_vreg.gather [hbm4b:s16+s3], $0x80, v2, vm0, $0xb8;
	[tilespmem:$0x18080] =	vst v63  }
0x19e: {  	s30 =	simm.s32 $0x17080  }
0x19f: {  	[tilespmem:s30], [sflag:$0x1] =	stream.indirect_vreg.gather [hbm4b:s17+s3], $0x80, v2, vm0, $0xb8;
	[tilespmem:$0x18080] =	vst v63  }
0x1a0: {  	s20 =	simm.s32 $0x17880  }
0x1a1: {  	[tilespmem:s20], [sflag:$0x1] =	stream.indirect_vreg.gather [hbm4b:s18+s3], $0x80, v2, vm0, $0xb8;
	[tilespmem:$0x18080] =	vst v63  }
0x1a2: {  	s30 =	rddreg [dreg:$0xa]  }
0x1a3: {  	[hbm4b:s30+s3] =	stream.linear.scatter [tilespmem:s19], [sflag:$0x2], $0x8000, $0x38;
	[tilespmem:$0x18080] =	vst v63  }
0x1a4: {  	_ =	swait.ge [sflag:s26], $0x8000  }
0x1a5: {  	[sflag:s26] =	ssyncset.done $0x0  }
0x1a6: {  	[sflag:s26] =	ssyncadd.s32 $0xFFFF8000  }
0x1a7: {  	_ =	swait.ge [sflag:s29], $0x8000  }
0x1a8: {  	[sflag:s29] =	ssyncset.done $0x0  }
0x1a9: {  	[sflag:s29] =	ssyncadd.s32 $0xFFFF8000  }
0x1aa: {  	v2 =	vld.msk [tilespmem:$0x48], $0xff;
	_ =	sdelay $0x4  }
0x1ab: {  	v3 =	vshll.u32 v2, $0x5  }
0x1ac: {  	v2 =	vand.u32 $0x7, v2;
	v3 =	vand.u32 $0xFFFFFF00, v3  }
0x1ad: {  	v2 =	vor.u32 v2, v3  }
0x1ae: {  	v2 =	vperm.xlane v2, v0;
	_ =	sdelay $0x1  }
0x1af: {  	v2 =	vadd.s32 v1, v2;
	_ =	sdelay $0x4  }
0x1b0: {  	[tilespmem:s19], [sflag:$0x1] =	stream.indirect_vreg.gather [hbm4b:s1+s3], $0x80, v2, vm0, $0xb8;
	[tilespmem:$0x18080] =	vst v63  }
0x1b1: {  	s25 =	simm.s32 $0x880  }
0x1b2: {  	[tilespmem:s25], [sflag:$0x1] =	stream.indirect_vreg.gather [hbm4b:s4+s3], $0x80, v2, vm0, $0xb8;
	[tilespmem:$0x18080] =	vst v63  }
0x1b3: {  	s20 =	simm.s32 $0x1080  }
0x1b4: {  	[tilespmem:s20], [sflag:$0x1] =	stream.indirect_vreg.gather [hbm4b:s5+s3], $0x80, v2, vm0, $0xb8;
	[tilespmem:$0x18080] =	vst v63  }
0x1b5: {  	s30 =	simm.s32 $0x1880  }
0x1b6: {  	[tilespmem:s30], [sflag:$0x1] =	stream.indirect_vreg.gather [hbm4b:s6+s3], $0x80, v2, vm0, $0xb8;
	[tilespmem:$0x18080] =	vst v63  }
0x1b7: {  	s22 =	simm.s32 $0x2080  }
0x1b8: {  	[tilespmem:s22], [sflag:$0x1] =	stream.indirect_vreg.gather [hbm4b:s7+s3], $0x80, v2, vm0, $0xb8;
	[tilespmem:$0x18080] =	vst v63  }
0x1b9: {  	s23 =	simm.s32 $0x2880  }
0x1ba: {  	[tilespmem:s23], [sflag:$0x1] =	stream.indirect_vreg.gather [hbm4b:s8+s3], $0x80, v2, vm0, $0xb8;
	[tilespmem:$0x18080] =	vst v63  }
0x1bb: {  	s24 =	simm.s32 $0x3080  }
0x1bc: {  	[tilespmem:s24], [sflag:$0x1] =	stream.indirect_vreg.gather [hbm4b:s9+s3], $0x80, v2, vm0, $0xb8;
	[tilespmem:$0x18080] =	vst v63  }
0x1bd: {  	s31 =	simm.s32 $0x3880  }
0x1be: {  	[tilespmem:s31], [sflag:$0x1] =	stream.indirect_vreg.gather [hbm4b:s10+s3], $0x80, v2, vm0, $0xb8;
	[tilespmem:$0x18080] =	vst v63  }
0x1bf: {  	s21 =	simm.s32 $0x4080  }
0x1c0: {  	[tilespmem:s21], [sflag:$0x1] =	stream.indirect_vreg.gather [hbm4b:s11+s3], $0x80, v2, vm0, $0xb8;
	[tilespmem:$0x18080] =	vst v63  }
0x1c1: {  	s28 =	simm.s32 $0x4880  }
0x1c2: {  	[tilespmem:s28], [sflag:$0x1] =	stream.indirect_vreg.gather [hbm4b:s12+s3], $0x80, v2, vm0, $0xb8;
	[tilespmem:$0x18080] =	vst v63  }
0x1c3: {  	s24 =	simm.s32 $0x5080  }
0x1c4: {  	[tilespmem:s24], [sflag:$0x1] =	stream.indirect_vreg.gather [hbm4b:s13+s3], $0x80, v2, vm0, $0xb8;
	[tilespmem:$0x18080] =	vst v63  }
0x1c5: {  	s25 =	simm.s32 $0x5880  }
0x1c6: {  	[tilespmem:s25], [sflag:$0x1] =	stream.indirect_vreg.gather [hbm4b:s14+s3], $0x80, v2, vm0, $0xb8;
	[tilespmem:$0x18080] =	vst v63  }
0x1c7: {  	s28 =	simm.s32 $0x6080  }
0x1c8: {  	[tilespmem:s28], [sflag:$0x1] =	stream.indirect_vreg.gather [hbm4b:s15+s3], $0x80, v2, vm0, $0xb8;
	[tilespmem:$0x18080] =	vst v63  }
0x1c9: {  	s30 =	simm.s32 $0x6880  }
0x1ca: {  	[tilespmem:s30], [sflag:$0x1] =	stream.indirect_vreg.gather [hbm4b:s16+s3], $0x80, v2, vm0, $0xb8;
	[tilespmem:$0x18080] =	vst v63  }
0x1cb: {  	s31 =	simm.s32 $0x7080  }
0x1cc: {  	[tilespmem:s31], [sflag:$0x1] =	stream.indirect_vreg.gather [hbm4b:s17+s3], $0x80, v2, vm0, $0xb8;
	[tilespmem:$0x18080] =	vst v63  }
0x1cd: {  	s22 =	simm.s32 $0x7880  }
0x1ce: {  	[tilespmem:s22], [sflag:$0x1] =	stream.indirect_vreg.gather [hbm4b:s18+s3], $0x80, v2, vm0, $0xb8;
	[tilespmem:$0x18080] =	vst v63  }
0x1cf: {  	s2 =	simm.s32 $0x8080;
	s21 =	rddreg [dreg:$0xb]  }
0x1d0: {  	[hbm4b:s21+s3] =	stream.linear.scatter [tilespmem:s2], [sflag:$0x2], $0x8000, $0x38;
	[tilespmem:$0x18080] =	vst v63  }
0x1d1: {  	_ =	swait.ge [sflag:s26], $0x8000  }
0x1d2: {  	[sflag:s26] =	ssyncset.done $0x0  }
0x1d3: {  	[sflag:s26] =	ssyncadd.s32 $0xFFFF8000  }
0x1d4: {  	_ =	swait.ge [sflag:s29], $0x8000  }
0x1d5: {  	[sflag:s29] =	ssyncset.done $0x0  }
0x1d6: {  	[sflag:s29] =	ssyncadd.s32 $0xFFFF8000  }
0x1d7: {  	v2 =	vld.msk [tilespmem:$0x50], $0xff;
	_ =	sdelay $0x4  }
0x1d8: {  	v3 =	vshll.u32 v2, $0x5  }
0x1d9: {  	v2 =	vand.u32 $0x7, v2;
	v3 =	vand.u32 $0xFFFFFF00, v3  }
0x1da: {  	v2 =	vor.u32 v2, v3  }
0x1db: {  	v2 =	vperm.xlane v2, v0;
	_ =	sdelay $0x1  }
0x1dc: {  	v2 =	vadd.s32 v1, v2;
	_ =	sdelay $0x4  }
0x1dd: {  	[tilespmem:s2], [sflag:$0x1] =	stream.indirect_vreg.gather [hbm4b:s1+s3], $0x80, v2, vm0, $0xb8;
	[tilespmem:$0x18080] =	vst v63  }
0x1de: {  	s23 =	simm.s32 $0x8880  }
0x1df: {  	[tilespmem:s23], [sflag:$0x1] =	stream.indirect_vreg.gather [hbm4b:s4+s3], $0x80, v2, vm0, $0xb8;
	[tilespmem:$0x18080] =	vst v63  }
0x1e0: {  	s24 =	simm.s32 $0x9080  }
0x1e1: {  	[tilespmem:s24], [sflag:$0x1] =	stream.indirect_vreg.gather [hbm4b:s5+s3], $0x80, v2, vm0, $0xb8;
	[tilespmem:$0x18080] =	vst v63  }
0x1e2: {  	s25 =	simm.s32 $0x9880  }
0x1e3: {  	[tilespmem:s25], [sflag:$0x1] =	stream.indirect_vreg.gather [hbm4b:s6+s3], $0x80, v2, vm0, $0xb8;
	[tilespmem:$0x18080] =	vst v63  }
0x1e4: {  	s28 =	simm.s32 $0xA080  }
0x1e5: {  	[tilespmem:s28], [sflag:$0x1] =	stream.indirect_vreg.gather [hbm4b:s7+s3], $0x80, v2, vm0, $0xb8;
	[tilespmem:$0x18080] =	vst v63  }
0x1e6: {  	s30 =	simm.s32 $0xA880  }
0x1e7: {  	[tilespmem:s30], [sflag:$0x1] =	stream.indirect_vreg.gather [hbm4b:s8+s3], $0x80, v2, vm0, $0xb8;
	[tilespmem:$0x18080] =	vst v63  }
0x1e8: {  	s31 =	simm.s32 $0xB080  }
0x1e9: {  	[tilespmem:s31], [sflag:$0x1] =	stream.indirect_vreg.gather [hbm4b:s9+s3], $0x80, v2, vm0, $0xb8;
	[tilespmem:$0x18080] =	vst v63  }
0x1ea: {  	s20 =	simm.s32 $0xB880  }
0x1eb: {  	[tilespmem:s20], [sflag:$0x1] =	stream.indirect_vreg.gather [hbm4b:s10+s3], $0x80, v2, vm0, $0xb8;
	[tilespmem:$0x18080] =	vst v63  }
0x1ec: {  	s21 =	simm.s32 $0xC080  }
0x1ed: {  	[tilespmem:s21], [sflag:$0x1] =	stream.indirect_vreg.gather [hbm4b:s11+s3], $0x80, v2, vm0, $0xb8;
	[tilespmem:$0x18080] =	vst v63  }
0x1ee: {  	s22 =	simm.s32 $0xC880  }
0x1ef: {  	[tilespmem:s22], [sflag:$0x1] =	stream.indirect_vreg.gather [hbm4b:s12+s3], $0x80, v2, vm0, $0xb8;
	[tilespmem:$0x18080] =	vst v63  }
0x1f0: {  	s23 =	simm.s32 $0xD080  }
0x1f1: {  	[tilespmem:s23], [sflag:$0x1] =	stream.indirect_vreg.gather [hbm4b:s13+s3], $0x80, v2, vm0, $0xb8;
	[tilespmem:$0x18080] =	vst v63  }
0x1f2: {  	s24 =	simm.s32 $0xD880  }
0x1f3: {  	[tilespmem:s24], [sflag:$0x1] =	stream.indirect_vreg.gather [hbm4b:s14+s3], $0x80, v2, vm0, $0xb8;
	[tilespmem:$0x18080] =	vst v63  }
0x1f4: {  	s25 =	simm.s32 $0xE080  }
0x1f5: {  	[tilespmem:s25], [sflag:$0x1] =	stream.indirect_vreg.gather [hbm4b:s15+s3], $0x80, v2, vm0, $0xb8;
	[tilespmem:$0x18080] =	vst v63  }
0x1f6: {  	s28 =	simm.s32 $0xE880  }
0x1f7: {  	[tilespmem:s28], [sflag:$0x1] =	stream.indirect_vreg.gather [hbm4b:s16+s3], $0x80, v2, vm0, $0xb8;
	[tilespmem:$0x18080] =	vst v63  }
0x1f8: {  	s30 =	simm.s32 $0xF080  }
0x1f9: {  	[tilespmem:s30], [sflag:$0x1] =	stream.indirect_vreg.gather [hbm4b:s17+s3], $0x80, v2, vm0, $0xb8;
	[tilespmem:$0x18080] =	vst v63  }
0x1fa: {  	s20 =	simm.s32 $0xF880  }
0x1fb: {  	[tilespmem:s20], [sflag:$0x1] =	stream.indirect_vreg.gather [hbm4b:s18+s3], $0x80, v2, vm0, $0xb8;
	[tilespmem:$0x18080] =	vst v63  }
0x1fc: {  	s0 =	simm.s32 $0x10080;
	s31 =	rddreg [dreg:$0xc]  }
0x1fd: {  	[hbm4b:s31+s3] =	stream.linear.scatter [tilespmem:s0], [sflag:$0x2], $0x8000, $0x38;
	[tilespmem:$0x18080] =	vst v63  }
0x1fe: {  	_ =	swait.ge [sflag:s26], $0x8000  }
0x1ff: {  	[sflag:s26] =	ssyncset.done $0x0  }
0x200: {  	[sflag:s26] =	ssyncadd.s32 $0xFFFF8000  }
0x201: {  	_ =	swait.ge [sflag:s29], $0x8000  }
0x202: {  	[sflag:s29] =	ssyncset.done $0x0  }
0x203: {  	[sflag:s29] =	ssyncadd.s32 $0xFFFF8000  }
0x204: {  	v2 =	vld.msk [tilespmem:$0x58], $0xff;
	_ =	sdelay $0x4  }
0x205: {  	v3 =	vshll.u32 v2, $0x5  }
0x206: {  	v2 =	vand.u32 $0x7, v2;
	v3 =	vand.u32 $0xFFFFFF00, v3  }
0x207: {  	v2 =	vor.u32 v2, v3  }
0x208: {  	v2 =	vperm.xlane v2, v0;
	_ =	sdelay $0x1  }
0x209: {  	v2 =	vadd.s32 v1, v2;
	_ =	sdelay $0x4  }
0x20a: {  	[tilespmem:s0], [sflag:$0x1] =	stream.indirect_vreg.gather [hbm4b:s1+s3], $0x80, v2, vm0, $0xb8;
	[tilespmem:$0x18080] =	vst v63  }
0x20b: {  	s21 =	simm.s32 $0x10880  }
0x20c: {  	[tilespmem:s21], [sflag:$0x1] =	stream.indirect_vreg.gather [hbm4b:s4+s3], $0x80, v2, vm0, $0xb8;
	[tilespmem:$0x18080] =	vst v63  }
0x20d: {  	s22 =	simm.s32 $0x11080  }
0x20e: {  	[tilespmem:s22], [sflag:$0x1] =	stream.indirect_vreg.gather [hbm4b:s5+s3], $0x80, v2, vm0, $0xb8;
	[tilespmem:$0x18080] =	vst v63  }
0x20f: {  	s23 =	simm.s32 $0x11880  }
0x210: {  	[tilespmem:s23], [sflag:$0x1] =	stream.indirect_vreg.gather [hbm4b:s6+s3], $0x80, v2, vm0, $0xb8;
	[tilespmem:$0x18080] =	vst v63  }
0x211: {  	s24 =	simm.s32 $0x12080  }
0x212: {  	[tilespmem:s24], [sflag:$0x1] =	stream.indirect_vreg.gather [hbm4b:s7+s3], $0x80, v2, vm0, $0xb8;
	[tilespmem:$0x18080] =	vst v63  }
0x213: {  	s25 =	simm.s32 $0x12880  }
0x214: {  	[tilespmem:s25], [sflag:$0x1] =	stream.indirect_vreg.gather [hbm4b:s8+s3], $0x80, v2, vm0, $0xb8;
	[tilespmem:$0x18080] =	vst v63  }
0x215: {  	s28 =	simm.s32 $0x13080  }
0x216: {  	[tilespmem:s28], [sflag:$0x1] =	stream.indirect_vreg.gather [hbm4b:s9+s3], $0x80, v2, vm0, $0xb8;
	[tilespmem:$0x18080] =	vst v63  }
0x217: {  	s30 =	simm.s32 $0x13880  }
0x218: {  	[tilespmem:s30], [sflag:$0x1] =	stream.indirect_vreg.gather [hbm4b:s10+s3], $0x80, v2, vm0, $0xb8;
	[tilespmem:$0x18080] =	vst v63  }
0x219: {  	s31 =	simm.s32 $0x14080  }
0x21a: {  	[tilespmem:s31], [sflag:$0x1] =	stream.indirect_vreg.gather [hbm4b:s11+s3], $0x80, v2, vm0, $0xb8;
	[tilespmem:$0x18080] =	vst v63  }
0x21b: {  	s2 =	simm.s32 $0x14880  }
0x21c: {  	[tilespmem:s2], [sflag:$0x1] =	stream.indirect_vreg.gather [hbm4b:s12+s3], $0x80, v2, vm0, $0xb8;
	[tilespmem:$0x18080] =	vst v63  }
0x21d: {  	s30 =	simm.s32 $0x15080  }
0x21e: {  	[tilespmem:s30], [sflag:$0x1] =	stream.indirect_vreg.gather [hbm4b:s13+s3], $0x80, v2, vm0, $0xb8;
	[tilespmem:$0x18080] =	vst v63  }
0x21f: {  	s2 =	simm.s32 $0x15880  }
0x220: {  	[tilespmem:s2], [sflag:$0x1] =	stream.indirect_vreg.gather [hbm4b:s14+s3], $0x80, v2, vm0, $0xb8;
	[tilespmem:$0x18080] =	vst v63  }
0x221: {  	s30 =	simm.s32 $0x16080  }
0x222: {  	[tilespmem:s30], [sflag:$0x1] =	stream.indirect_vreg.gather [hbm4b:s15+s3], $0x80, v2, vm0, $0xb8;
	[tilespmem:$0x18080] =	vst v63  }
0x223: {  	s2 =	simm.s32 $0x16880  }
0x224: {  	[tilespmem:s2], [sflag:$0x1] =	stream.indirect_vreg.gather [hbm4b:s16+s3], $0x80, v2, vm0, $0xb8;
	[tilespmem:$0x18080] =	vst v63  }
0x225: {  	s30 =	simm.s32 $0x17080  }
0x226: {  	[tilespmem:s30], [sflag:$0x1] =	stream.indirect_vreg.gather [hbm4b:s17+s3], $0x80, v2, vm0, $0xb8;
	[tilespmem:$0x18080] =	vst v63  }
0x227: {  	s2 =	simm.s32 $0x17880  }
0x228: {  	[tilespmem:s2], [sflag:$0x1] =	stream.indirect_vreg.gather [hbm4b:s18+s3], $0x80, v2, vm0, $0xb8;
	[tilespmem:$0x18080] =	vst v63  }
0x229: {  	s30 =	rddreg [dreg:$0xd]  }
0x22a: {  	[hbm4b:s30+s3] =	stream.linear.scatter [tilespmem:s19], [sflag:$0x2], $0x8000, $0x38;
	[tilespmem:$0x18080] =	vst v63  }
0x22b: {  	_ =	swait.ge [sflag:s26], $0x8000  }
0x22c: {  	[sflag:s26] =	ssyncset.done $0x0  }
0x22d: {  	[sflag:s26] =	ssyncadd.s32 $0xFFFF8000  }
0x22e: {  	_ =	swait.ge [sflag:s29], $0x8000  }
0x22f: {  	[sflag:s29] =	ssyncset.done $0x0  }
0x230: {  	[sflag:s29] =	ssyncadd.s32 $0xFFFF8000  }
0x231: {  	v2 =	vld.msk [tilespmem:$0x60], $0xff;
	_ =	sdelay $0x4  }
0x232: {  	v3 =	vshll.u32 v2, $0x5  }
0x233: {  	v2 =	vand.u32 $0x7, v2;
	v3 =	vand.u32 $0xFFFFFF00, v3  }
0x234: {  	v2 =	vor.u32 v2, v3  }
0x235: {  	v2 =	vperm.xlane v2, v0;
	_ =	sdelay $0x1  }
0x236: {  	v2 =	vadd.s32 v1, v2;
	_ =	sdelay $0x4  }
0x237: {  	[tilespmem:s19], [sflag:$0x1] =	stream.indirect_vreg.gather [hbm4b:s1+s3], $0x80, v2, vm0, $0xb8;
	[tilespmem:$0x18080] =	vst v63  }
0x238: {  	s2 =	simm.s32 $0x880  }
0x239: {  	[tilespmem:s2], [sflag:$0x1] =	stream.indirect_vreg.gather [hbm4b:s4+s3], $0x80, v2, vm0, $0xb8;
	[tilespmem:$0x18080] =	vst v63  }
0x23a: {  	s30 =	simm.s32 $0x1080  }
0x23b: {  	[tilespmem:s30], [sflag:$0x1] =	stream.indirect_vreg.gather [hbm4b:s5+s3], $0x80, v2, vm0, $0xb8;
	[tilespmem:$0x18080] =	vst v63  }
0x23c: {  	s2 =	simm.s32 $0x1880  }
0x23d: {  	[tilespmem:s2], [sflag:$0x1] =	stream.indirect_vreg.gather [hbm4b:s6+s3], $0x80, v2, vm0, $0xb8;
	[tilespmem:$0x18080] =	vst v63  }
0x23e: {  	s30 =	simm.s32 $0x2080  }
0x23f: {  	[tilespmem:s30], [sflag:$0x1] =	stream.indirect_vreg.gather [hbm4b:s7+s3], $0x80, v2, vm0, $0xb8;
	[tilespmem:$0x18080] =	vst v63  }
0x240: {  	s2 =	simm.s32 $0x2880  }
0x241: {  	[tilespmem:s2], [sflag:$0x1] =	stream.indirect_vreg.gather [hbm4b:s8+s3], $0x80, v2, vm0, $0xb8;
	[tilespmem:$0x18080] =	vst v63  }
0x242: {  	s30 =	simm.s32 $0x3080  }
0x243: {  	[tilespmem:s30], [sflag:$0x1] =	stream.indirect_vreg.gather [hbm4b:s9+s3], $0x80, v2, vm0, $0xb8;
	[tilespmem:$0x18080] =	vst v63  }
0x244: {  	s2 =	simm.s32 $0x3880  }
0x245: {  	[tilespmem:s2], [sflag:$0x1] =	stream.indirect_vreg.gather [hbm4b:s10+s3], $0x80, v2, vm0, $0xb8;
	[tilespmem:$0x18080] =	vst v63  }
0x246: {  	s30 =	simm.s32 $0x4080  }
0x247: {  	[tilespmem:s30], [sflag:$0x1] =	stream.indirect_vreg.gather [hbm4b:s11+s3], $0x80, v2, vm0, $0xb8;
	[tilespmem:$0x18080] =	vst v63  }
0x248: {  	s2 =	simm.s32 $0x4880  }
0x249: {  	[tilespmem:s2], [sflag:$0x1] =	stream.indirect_vreg.gather [hbm4b:s12+s3], $0x80, v2, vm0, $0xb8;
	[tilespmem:$0x18080] =	vst v63  }
0x24a: {  	s30 =	simm.s32 $0x5080  }
0x24b: {  	[tilespmem:s30], [sflag:$0x1] =	stream.indirect_vreg.gather [hbm4b:s13+s3], $0x80, v2, vm0, $0xb8;
	[tilespmem:$0x18080] =	vst v63  }
0x24c: {  	s2 =	simm.s32 $0x5880  }
0x24d: {  	[tilespmem:s2], [sflag:$0x1] =	stream.indirect_vreg.gather [hbm4b:s14+s3], $0x80, v2, vm0, $0xb8;
	[tilespmem:$0x18080] =	vst v63  }
0x24e: {  	s30 =	simm.s32 $0x6080  }
0x24f: {  	[tilespmem:s30], [sflag:$0x1] =	stream.indirect_vreg.gather [hbm4b:s15+s3], $0x80, v2, vm0, $0xb8;
	[tilespmem:$0x18080] =	vst v63  }
0x250: {  	s2 =	simm.s32 $0x6880  }
0x251: {  	[tilespmem:s2], [sflag:$0x1] =	stream.indirect_vreg.gather [hbm4b:s16+s3], $0x80, v2, vm0, $0xb8;
	[tilespmem:$0x18080] =	vst v63  }
0x252: {  	s30 =	simm.s32 $0x7080  }
0x253: {  	[tilespmem:s30], [sflag:$0x1] =	stream.indirect_vreg.gather [hbm4b:s17+s3], $0x80, v2, vm0, $0xb8;
	[tilespmem:$0x18080] =	vst v63  }
0x254: {  	s2 =	simm.s32 $0x7880  }
0x255: {  	[tilespmem:s2], [sflag:$0x1] =	stream.indirect_vreg.gather [hbm4b:s18+s3], $0x80, v2, vm0, $0xb8;
	[tilespmem:$0x18080] =	vst v63  }
0x256: {  	s30 =	rddreg [dreg:$0xe];
	s2 =	simm.s32 $0x8080  }
0x257: {  	[hbm4b:s30+s3] =	stream.linear.scatter [tilespmem:s2], [sflag:$0x2], $0x8000, $0x38;
	[tilespmem:$0x18080] =	vst v63  }
0x258: {  	_ =	swait.ge [sflag:s26], $0x8000  }
0x259: {  	[sflag:s26] =	ssyncset.done $0x0  }
0x25a: {  	[sflag:s26] =	ssyncadd.s32 $0xFFFF8000  }
0x25b: {  	_ =	swait.ge [sflag:s29], $0x8000  }
0x25c: {  	[sflag:s29] =	ssyncset.done $0x0  }
0x25d: {  	[sflag:s29] =	ssyncadd.s32 $0xFFFF8000  }
0x25e: {  	v2 =	vld.msk [tilespmem:$0x68], $0xff;
	_ =	sdelay $0x4  }
0x25f: {  	v3 =	vshll.u32 v2, $0x5  }
0x260: {  	v2 =	vand.u32 $0x7, v2;
	v3 =	vand.u32 $0xFFFFFF00, v3  }
0x261: {  	v2 =	vor.u32 v2, v3  }
0x262: {  	v2 =	vperm.xlane v2, v0;
	_ =	sdelay $0x1  }
0x263: {  	v2 =	vadd.s32 v1, v2;
	_ =	sdelay $0x4  }
0x264: {  	[tilespmem:s2], [sflag:$0x1] =	stream.indirect_vreg.gather [hbm4b:s1+s3], $0x80, v2, vm0, $0xb8;
	[tilespmem:$0x18080] =	vst v63  }
0x265: {  	s30 =	simm.s32 $0x8880  }
0x266: {  	[tilespmem:s30], [sflag:$0x1] =	stream.indirect_vreg.gather [hbm4b:s4+s3], $0x80, v2, vm0, $0xb8;
	[tilespmem:$0x18080] =	vst v63  }
0x267: {  	s30 =	simm.s32 $0x9080  }
0x268: {  	[tilespmem:s30], [sflag:$0x1] =	stream.indirect_vreg.gather [hbm4b:s5+s3], $0x80, v2, vm0, $0xb8;
	[tilespmem:$0x18080] =	vst v63  }
0x269: {  	s30 =	simm.s32 $0x9880  }
0x26a: {  	[tilespmem:s30], [sflag:$0x1] =	stream.indirect_vreg.gather [hbm4b:s6+s3], $0x80, v2, vm0, $0xb8;
	[tilespmem:$0x18080] =	vst v63  }
0x26b: {  	s30 =	simm.s32 $0xA080  }
0x26c: {  	[tilespmem:s30], [sflag:$0x1] =	stream.indirect_vreg.gather [hbm4b:s7+s3], $0x80, v2, vm0, $0xb8;
	[tilespmem:$0x18080] =	vst v63  }
0x26d: {  	s30 =	simm.s32 $0xA880  }
0x26e: {  	[tilespmem:s30], [sflag:$0x1] =	stream.indirect_vreg.gather [hbm4b:s8+s3], $0x80, v2, vm0, $0xb8;
	[tilespmem:$0x18080] =	vst v63  }
0x26f: {  	s30 =	simm.s32 $0xB080  }
0x270: {  	[tilespmem:s30], [sflag:$0x1] =	stream.indirect_vreg.gather [hbm4b:s9+s3], $0x80, v2, vm0, $0xb8;
	[tilespmem:$0x18080] =	vst v63  }
0x271: {  	s30 =	simm.s32 $0xB880  }
0x272: {  	[tilespmem:s30], [sflag:$0x1] =	stream.indirect_vreg.gather [hbm4b:s10+s3], $0x80, v2, vm0, $0xb8;
	[tilespmem:$0x18080] =	vst v63  }
0x273: {  	s30 =	simm.s32 $0xC080  }
0x274: {  	[tilespmem:s30], [sflag:$0x1] =	stream.indirect_vreg.gather [hbm4b:s11+s3], $0x80, v2, vm0, $0xb8;
	[tilespmem:$0x18080] =	vst v63  }
0x275: {  	s30 =	simm.s32 $0xC880  }
0x276: {  	[tilespmem:s30], [sflag:$0x1] =	stream.indirect_vreg.gather [hbm4b:s12+s3], $0x80, v2, vm0, $0xb8;
	[tilespmem:$0x18080] =	vst v63  }
0x277: {  	s30 =	simm.s32 $0xD080  }
0x278: {  	[tilespmem:s30], [sflag:$0x1] =	stream.indirect_vreg.gather [hbm4b:s13+s3], $0x80, v2, vm0, $0xb8;
	[tilespmem:$0x18080] =	vst v63  }
0x279: {  	s30 =	simm.s32 $0xD880  }
0x27a: {  	[tilespmem:s30], [sflag:$0x1] =	stream.indirect_vreg.gather [hbm4b:s14+s3], $0x80, v2, vm0, $0xb8;
	[tilespmem:$0x18080] =	vst v63  }
0x27b: {  	s30 =	simm.s32 $0xE080  }
0x27c: {  	[tilespmem:s30], [sflag:$0x1] =	stream.indirect_vreg.gather [hbm4b:s15+s3], $0x80, v2, vm0, $0xb8;
	[tilespmem:$0x18080] =	vst v63  }
0x27d: {  	s30 =	simm.s32 $0xE880  }
0x27e: {  	[tilespmem:s30], [sflag:$0x1] =	stream.indirect_vreg.gather [hbm4b:s16+s3], $0x80, v2, vm0, $0xb8;
	[tilespmem:$0x18080] =	vst v63  }
0x27f: {  	s30 =	simm.s32 $0xF080  }
0x280: {  	[tilespmem:s30], [sflag:$0x1] =	stream.indirect_vreg.gather [hbm4b:s17+s3], $0x80, v2, vm0, $0xb8;
	[tilespmem:$0x18080] =	vst v63  }
0x281: {  	s0 =	simm.s32 $0xF880  }
0x282: {  	[tilespmem:s0], [sflag:$0x1] =	stream.indirect_vreg.gather [hbm4b:s18+s3], $0x80, v2, vm0, $0xb8;
	[tilespmem:$0x18080] =	vst v63  }
0x283: {  	s30 =	rddreg [dreg:$0xf];
	s0 =	simm.s32 $0x10080  }
0x284: {  	[hbm4b:s30+s3] =	stream.linear.scatter [tilespmem:s0], [sflag:$0x2], $0x8000, $0x38;
	[tilespmem:$0x18080] =	vst v63  }
0x285: {  	_ =	swait.ge [sflag:s26], $0x8000  }
0x286: {  	[sflag:s26] =	ssyncset.done $0x0  }
0x287: {  	[sflag:s26] =	ssyncadd.s32 $0xFFFF8000  }
0x288: {  	_ =	swait.ge [sflag:s29], $0x8000  }
0x289: {  	[sflag:s29] =	ssyncset.done $0x0  }
0x28a: {  	[sflag:s29] =	ssyncadd.s32 $0xFFFF8000  }
0x28b: {  	v2 =	vld.msk [tilespmem:$0x70], $0xff;
	_ =	sdelay $0x4  }
0x28c: {  	v3 =	vshll.u32 v2, $0x5  }
0x28d: {  	v2 =	vand.u32 $0x7, v2;
	v3 =	vand.u32 $0xFFFFFF00, v3  }
0x28e: {  	v2 =	vor.u32 v2, v3  }
0x28f: {  	v2 =	vperm.xlane v2, v0;
	_ =	sdelay $0x1  }
0x290: {  	v2 =	vadd.s32 v1, v2;
	_ =	sdelay $0x4  }
0x291: {  	[tilespmem:s0], [sflag:$0x1] =	stream.indirect_vreg.gather [hbm4b:s1+s3], $0x80, v2, vm0, $0xb8;
	[tilespmem:$0x18080] =	vst v63  }
0x292: {  	s20 =	simm.s32 $0x10880  }
0x293: {  	[tilespmem:s20], [sflag:$0x1] =	stream.indirect_vreg.gather [hbm4b:s4+s3], $0x80, v2, vm0, $0xb8;
	[tilespmem:$0x18080] =	vst v63  }
0x294: {  	s21 =	simm.s32 $0x11080  }
0x295: {  	[tilespmem:s21], [sflag:$0x1] =	stream.indirect_vreg.gather [hbm4b:s5+s3], $0x80, v2, vm0, $0xb8;
	[tilespmem:$0x18080] =	vst v63  }
0x296: {  	s22 =	simm.s32 $0x11880  }
0x297: {  	[tilespmem:s22], [sflag:$0x1] =	stream.indirect_vreg.gather [hbm4b:s6+s3], $0x80, v2, vm0, $0xb8;
	[tilespmem:$0x18080] =	vst v63  }
0x298: {  	s23 =	simm.s32 $0x12080  }
0x299: {  	[tilespmem:s23], [sflag:$0x1] =	stream.indirect_vreg.gather [hbm4b:s7+s3], $0x80, v2, vm0, $0xb8;
	[tilespmem:$0x18080] =	vst v63  }
0x29a: {  	s24 =	simm.s32 $0x12880  }
0x29b: {  	[tilespmem:s24], [sflag:$0x1] =	stream.indirect_vreg.gather [hbm4b:s8+s3], $0x80, v2, vm0, $0xb8;
	[tilespmem:$0x18080] =	vst v63  }
0x29c: {  	s25 =	simm.s32 $0x13080  }
0x29d: {  	[tilespmem:s25], [sflag:$0x1] =	stream.indirect_vreg.gather [hbm4b:s9+s3], $0x80, v2, vm0, $0xb8;
	[tilespmem:$0x18080] =	vst v63  }
0x29e: {  	s28 =	simm.s32 $0x13880  }
0x29f: {  	[tilespmem:s28], [sflag:$0x1] =	stream.indirect_vreg.gather [hbm4b:s10+s3], $0x80, v2, vm0, $0xb8;
	[tilespmem:$0x18080] =	vst v63  }
0x2a0: {  	s31 =	simm.s32 $0x14080  }
0x2a1: {  	[tilespmem:s31], [sflag:$0x1] =	stream.indirect_vreg.gather [hbm4b:s11+s3], $0x80, v2, vm0, $0xb8;
	[tilespmem:$0x18080] =	vst v63  }
0x2a2: {  	s30 =	simm.s32 $0x14880  }
0x2a3: {  	[tilespmem:s30], [sflag:$0x1] =	stream.indirect_vreg.gather [hbm4b:s12+s3], $0x80, v2, vm0, $0xb8;
	[tilespmem:$0x18080] =	vst v63  }
0x2a4: {  	s31 =	simm.s32 $0x15080  }
0x2a5: {  	[tilespmem:s31], [sflag:$0x1] =	stream.indirect_vreg.gather [hbm4b:s13+s3], $0x80, v2, vm0, $0xb8;
	[tilespmem:$0x18080] =	vst v63  }
0x2a6: {  	s21 =	simm.s32 $0x15880  }
0x2a7: {  	[tilespmem:s21], [sflag:$0x1] =	stream.indirect_vreg.gather [hbm4b:s14+s3], $0x80, v2, vm0, $0xb8;
	[tilespmem:$0x18080] =	vst v63  }
0x2a8: {  	s22 =	simm.s32 $0x16080  }
0x2a9: {  	[tilespmem:s22], [sflag:$0x1] =	stream.indirect_vreg.gather [hbm4b:s15+s3], $0x80, v2, vm0, $0xb8;
	[tilespmem:$0x18080] =	vst v63  }
0x2aa: {  	s23 =	simm.s32 $0x16880  }
0x2ab: {  	[tilespmem:s23], [sflag:$0x1] =	stream.indirect_vreg.gather [hbm4b:s16+s3], $0x80, v2, vm0, $0xb8;
	[tilespmem:$0x18080] =	vst v63  }
0x2ac: {  	s24 =	simm.s32 $0x17080  }
0x2ad: {  	[tilespmem:s24], [sflag:$0x1] =	stream.indirect_vreg.gather [hbm4b:s17+s3], $0x80, v2, vm0, $0xb8;
	[tilespmem:$0x18080] =	vst v63  }
0x2ae: {  	s28 =	simm.s32 $0x17880  }
0x2af: {  	[tilespmem:s28], [sflag:$0x1] =	stream.indirect_vreg.gather [hbm4b:s18+s3], $0x80, v2, vm0, $0xb8;
	[tilespmem:$0x18080] =	vst v63  }
0x2b0: {  	s25 =	rddreg [dreg:$0x10]  }
0x2b1: {  	[hbm4b:s25+s3] =	stream.linear.scatter [tilespmem:s19], [sflag:$0x2], $0x8000, $0x38;
	[tilespmem:$0x18080] =	vst v63  }
0x2b2: {  	_ =	swait.ge [sflag:s26], $0x8000  }
0x2b3: {  	[sflag:s26] =	ssyncset.done $0x0  }
0x2b4: {  	[sflag:s26] =	ssyncadd.s32 $0xFFFF8000  }
0x2b5: {  	_ =	swait.ge [sflag:s29], $0x8000  }
0x2b6: {  	[sflag:s29] =	ssyncset.done $0x0  }
0x2b7: {  	[sflag:s29] =	ssyncadd.s32 $0xFFFF8000  }
0x2b8: {  	v2 =	vld.msk [tilespmem:$0x78], $0xff;
	_ =	sdelay $0x4  }
0x2b9: {  	v3 =	vshll.u32 v2, $0x5  }
0x2ba: {  	v2 =	vand.u32 $0x7, v2;
	v3 =	vand.u32 $0xFFFFFF00, v3  }
0x2bb: {  	v2 =	vor.u32 v2, v3  }
0x2bc: {  	v2 =	vperm.xlane v2, v0;
	_ =	sdelay $0x1  }
0x2bd: {  	v2 =	vadd.s32 v1, v2;
	_ =	sdelay $0x4  }
0x2be: {  	[tilespmem:s19], [sflag:$0x1] =	stream.indirect_vreg.gather [hbm4b:s1+s3], $0x80, v2, vm0, $0xb8;
	[tilespmem:$0x18080] =	vst v63  }
0x2bf: {  	s30 =	simm.s32 $0x880  }
0x2c0: {  	[tilespmem:s30], [sflag:$0x1] =	stream.indirect_vreg.gather [hbm4b:s4+s3], $0x80, v2, vm0, $0xb8;
	[tilespmem:$0x18080] =	vst v63  }
0x2c1: {  	s31 =	simm.s32 $0x1080  }
0x2c2: {  	[tilespmem:s31], [sflag:$0x1] =	stream.indirect_vreg.gather [hbm4b:s5+s3], $0x80, v2, vm0, $0xb8;
	[tilespmem:$0x18080] =	vst v63  }
0x2c3: {  	s20 =	simm.s32 $0x1880  }
0x2c4: {  	[tilespmem:s20], [sflag:$0x1] =	stream.indirect_vreg.gather [hbm4b:s6+s3], $0x80, v2, vm0, $0xb8;
	[tilespmem:$0x18080] =	vst v63  }
0x2c5: {  	s21 =	simm.s32 $0x2080  }
0x2c6: {  	[tilespmem:s21], [sflag:$0x1] =	stream.indirect_vreg.gather [hbm4b:s7+s3], $0x80, v2, vm0, $0xb8;
	[tilespmem:$0x18080] =	vst v63  }
0x2c7: {  	s22 =	simm.s32 $0x2880  }
0x2c8: {  	[tilespmem:s22], [sflag:$0x1] =	stream.indirect_vreg.gather [hbm4b:s8+s3], $0x80, v2, vm0, $0xb8;
	[tilespmem:$0x18080] =	vst v63  }
0x2c9: {  	s23 =	simm.s32 $0x3080  }
0x2ca: {  	[tilespmem:s23], [sflag:$0x1] =	stream.indirect_vreg.gather [hbm4b:s9+s3], $0x80, v2, vm0, $0xb8;
	[tilespmem:$0x18080] =	vst v63  }
0x2cb: {  	s24 =	simm.s32 $0x3880  }
0x2cc: {  	[tilespmem:s24], [sflag:$0x1] =	stream.indirect_vreg.gather [hbm4b:s10+s3], $0x80, v2, vm0, $0xb8;
	[tilespmem:$0x18080] =	vst v63  }
0x2cd: {  	s25 =	simm.s32 $0x4080  }
0x2ce: {  	[tilespmem:s25], [sflag:$0x1] =	stream.indirect_vreg.gather [hbm4b:s11+s3], $0x80, v2, vm0, $0xb8;
	[tilespmem:$0x18080] =	vst v63  }
0x2cf: {  	s28 =	simm.s32 $0x4880  }
0x2d0: {  	[tilespmem:s28], [sflag:$0x1] =	stream.indirect_vreg.gather [hbm4b:s12+s3], $0x80, v2, vm0, $0xb8;
	[tilespmem:$0x18080] =	vst v63  }
0x2d1: {  	s30 =	simm.s32 $0x5080  }
0x2d2: {  	[tilespmem:s30], [sflag:$0x1] =	stream.indirect_vreg.gather [hbm4b:s13+s3], $0x80, v2, vm0, $0xb8;
	[tilespmem:$0x18080] =	vst v63  }
0x2d3: {  	s31 =	simm.s32 $0x5880  }
0x2d4: {  	[tilespmem:s31], [sflag:$0x1] =	stream.indirect_vreg.gather [hbm4b:s14+s3], $0x80, v2, vm0, $0xb8;
	[tilespmem:$0x18080] =	vst v63  }
0x2d5: {  	s20 =	simm.s32 $0x6080  }
0x2d6: {  	[tilespmem:s20], [sflag:$0x1] =	stream.indirect_vreg.gather [hbm4b:s15+s3], $0x80, v2, vm0, $0xb8;
	[tilespmem:$0x18080] =	vst v63  }
0x2d7: {  	s21 =	simm.s32 $0x6880  }
0x2d8: {  	[tilespmem:s21], [sflag:$0x1] =	stream.indirect_vreg.gather [hbm4b:s16+s3], $0x80, v2, vm0, $0xb8;
	[tilespmem:$0x18080] =	vst v63  }
0x2d9: {  	s22 =	simm.s32 $0x7080  }
0x2da: {  	[tilespmem:s22], [sflag:$0x1] =	stream.indirect_vreg.gather [hbm4b:s17+s3], $0x80, v2, vm0, $0xb8;
	[tilespmem:$0x18080] =	vst v63  }
0x2db: {  	s24 =	simm.s32 $0x7880  }
0x2dc: {  	[tilespmem:s24], [sflag:$0x1] =	stream.indirect_vreg.gather [hbm4b:s18+s3], $0x80, v2, vm0, $0xb8;
	[tilespmem:$0x18080] =	vst v63  }
0x2dd: {  	s2 =	simm.s32 $0x8080;
	s23 =	rddreg [dreg:$0x11]  }
0x2de: {  	[hbm4b:s23+s3] =	stream.linear.scatter [tilespmem:s2], [sflag:$0x2], $0x8000, $0x38;
	[tilespmem:$0x18080] =	vst v63  }
0x2df: {  	_ =	swait.ge [sflag:s26], $0x8000  }
0x2e0: {  	[sflag:s26] =	ssyncset.done $0x0  }
0x2e1: {  	s0 =	simm.s32 $0x10080;
	s25 =	rddreg [dreg:$0x12];
	[sflag:s26] =	ssyncadd.s32 $0xFFFF8000  }
0x2e2: {  	[hbm4b:s25+s3] =	stream.linear.scatter [tilespmem:s0], [sflag:$0x2], $0x8000, $0x38;
	[tilespmem:$0x18080] =	vst v63  }
0x2e3: {  	s28 =	rddreg [dreg:$0x14];
	_ =	swait.ge [sflag:s26], $0x8000  }
0x2e4: {  	[sflag:s26] =	ssyncset.done $0x0  }
0x2e5: {  	s31 =	rddreg [dreg:$0x13];
	[sflag:s26] =	ssyncadd.s32 $0xFFFF8000  }
0x2e6: {  	[hbm4b:s31+s3] =	stream.linear.scatter [tilespmem:s19], [sflag:$0x2], $0x8000, $0x38;
	[tilespmem:$0x18080] =	vst v63  }
0x2e7: {  	_ =	swait.ge [sflag:s29], $0x8000  }
0x2e8: {  	[sflag:s29] =	ssyncset.done $0x0  }
0x2e9: {  	[sflag:s29] =	ssyncadd.s32 $0xFFFF8000  }
0x2ea: {  	p0 =	sne.s32 s28, $0x1;
	_ =	swait.ge [sflag:s29], $0x8000  }
.Ltmp0:
0x2eb: {  	[sflag:s29] =	ssyncset.done $0x0;
	(pc) =	sbr.rel @p0 .LBB2_1-.Ltmp0, $4  }
0x2ec: {  	[sflag:s29] =	ssyncadd.s32 $0xFFFF8000  }
0x2ed: {  	_ =	swait.ge [sflag:s29], $0x8000  }
0x2ee: {  	[sflag:s29] =	ssyncset.done $0x0  }
0x2ef: {  	s0 =	sadd.s32 $0xFFFFFFFF, s28;
	[sflag:s29] =	ssyncadd.s32 $0xFFFF8000  }
0x2f0: {  	_ =	sfence.sel $0x180000  }
0x2f1: {  	[bflag:$0x0] =	sbarrier.arrive $0xFFFF  }
0x2f2: {  	_ =	strace $0x90000047  }
0x2f3: {  	s0 =	stileid.u32;
	[bflag:$0x2] =	sbarrier.arrive $0xFFFF  }
0x2f4: {  	p0 =	sne.s32 s0, $0x0;
	s0 =	rddreg [dreg:$0x2]  }
0x2f5: {  	s0 =	sadd.s32 @!p0 $0x100000, s0  }
0x2f6: {  	[sflag:s0] =	ssyncadd.tile.s32 @!p0 $0x1;
	_ =	shalt  }
.Lfunc_end2:
_tile_overlayer_lowered:
.L_overlay_start_2:
0x2f7: {  	(tag) =	ssettag $0x2  }
0x2f8: {  	s0 =	rddreg [dreg:$0x0];
	s2 =	stileid.u32  }
0x2f9: {  	s1 =	rddreg [dreg:$0x1];
	p0 =	sne.s32 s2, $0x0  }
0x2fa: {  	s3 =	rddreg [dreg:$0x2];
	[bflag:$0x3] =	sbarrier.arrive $0xFFFF;
	s2 =	simm.s32 @!p0 $0x1C03  }
0x2fb: {  	[timem:s3], [sflag:s2] =	dma.local @!p0 [hbm:s0], s1  }
0x2fc: {  	s0 =	simm.s32 @!p0 $0x3  }
0x2fd: {  	_ =	swait.ge @!p0 [sflag:s0], s1  }
0x2fe: {  	s1 =	ssub.s32 @!p0 $0x0, s1;
	[sflag:s0] =	ssyncset.done @!p0 $0x0  }
0x2ff: {  	[sflag:s0] =	ssyncadd.s32 @!p0 s1  }
0x300: {  	[bflag:$0x3] =	sbarrier.arrive $0xFFFF  }
0x301: {  	_ =	shalt  }

</sc_bundles>
